<compile_context>
chip_gen: v7x
topology: tpu7x:2x2x1
jax: 0.10.2.dev20260603
libtpu: 0.0.44.dev20260713+nightly
codegen_flags: <defaults>
</compile_context>

<pallas_src>
import functools

import jax
import jax.numpy as jnp
from jax import lax
from jax.experimental import pallas as pl
from jax.experimental.pallas import tpu as pltpu
from jax.experimental.pallas import tpu_sc as plsc

N = 10000
E = 320000
F = 128

NC = 2
NS = 16
L = 16
NW = NC * NS
FPT = F // NW
RPW = FPT * N
CHUNK = 4000
NCHUNK = E // CHUNK
NWPC = RPW // CHUNK


def _spmm_body(readout, a_hbm, u_hbm, src_hbm, dst_hbm, w_hbm, wr_hbm,
               out_hbm, a_v, z_v, sb0, sb1, db0, db1, wb0, wb1,
               sem0, sem1, semA, semU):
    wid = lax.axis_index("s") * NC + lax.axis_index("c")
    base = wid * RPW

    acp = pltpu.async_copy(a_hbm.at[pl.ds(base, RPW)], a_v, semA)
    ucp = pltpu.async_copy(u_hbm.at[pl.ds(base, RPW)], z_v, semU)

    sbs = (sb0, sb1)
    dbs = (db0, db1)
    wbs = (wb0, wb1)
    sems = (sem0, sem1)

    def _issue(c, b):
        off = c * CHUNK
        pltpu.async_copy(src_hbm.at[pl.ds(off, CHUNK)], sbs[b], sems[b])
        pltpu.async_copy(dst_hbm.at[pl.ds(off, CHUNK)], dbs[b], sems[b])
        pltpu.async_copy(w_hbm.at[pl.ds(off, CHUNK)], wbs[b], sems[b])

    def _drain(c, b):
        off = c * CHUNK
        pltpu.make_async_copy(src_hbm.at[pl.ds(off, CHUNK)], sbs[b],
                              sems[b]).wait()
        pltpu.make_async_copy(dst_hbm.at[pl.ds(off, CHUNK)], dbs[b],
                              sems[b]).wait()
        pltpu.make_async_copy(w_hbm.at[pl.ds(off, CHUNK)], wbs[b],
                              sems[b]).wait()

    _issue(0, 0)
    _issue(1, 1)
    acp.wait()
    ucp.wait()

    def _pair_body(cp, carry):
        c0 = cp * 2
        for b in range(2):
            c = c0 + b
            _drain(c, b)

            @plsc.parallel_loop(0, CHUNK // L, unroll=5)
            def _vec_body(j):
                s = sbs[b][pl.ds(j * L, L)]
                d = dbs[b][pl.ds(j * L, L)]
                ww = wbs[b][pl.ds(j * L, L)]
                for f in range(FPT):
                    g = plsc.load_gather(a_v, [s + (f * N)])
                    plsc.addupdate_scatter(z_v, [d + (f * N)], g * ww)

            @pl.when(c + 2 < NCHUNK)
            def _refill():
                _issue(c + 2, b)

        return carry

    lax.fori_loop(0, NCHUNK // 2, _pair_body, 0)

    if not readout:
        @plsc.parallel_loop(0, RPW // L, unroll=8)
        def _relu_body(j):
            z_v[pl.ds(j * L, L)] = jnp.maximum(z_v[pl.ds(j * L, L)], 0.0)

        pltpu.sync_copy(z_v, out_hbm.at[pl.ds(base, RPW)])
    else:
        pltpu.async_copy(wr_hbm.at[pl.ds(base, CHUNK)], wb0, sem0)
        pltpu.async_copy(wr_hbm.at[pl.ds(base + CHUNK, CHUNK)], wb1, sem1)

        def _piece_body(p, acc):
            for b in range(2):
                pc = p * 2 + b
                off = pc * CHUNK
                pltpu.make_async_copy(
                    wr_hbm.at[pl.ds(base + off, CHUNK)], wbs[b], sems[b]
                ).wait()

                def _dot_body(j, acc2):
                    y = jnp.maximum(z_v[pl.ds(off + j * L, L)], 0.0)
                    w = wbs[b][pl.ds(j * L, L)]
                    return acc2 + y * w

                acc = lax.fori_loop(0, CHUNK // L, _dot_body, acc, unroll=4)

                @pl.when(pc + 2 < NWPC)
                def _refill_w():
                    pltpu.async_copy(
                        wr_hbm.at[pl.ds(base + off + 2 * CHUNK, CHUNK)],
                        wbs[b], sems[b])

            return acc

        acc = lax.fori_loop(0, NWPC // 2, _piece_body,
                            jnp.zeros((L,), jnp.float32))
        a_v[pl.ds(0, L)] = acc
        pltpu.sync_copy(a_v.at[pl.ds(0, L)], out_hbm.at[pl.ds(wid * L, L)])


def _spmm_sc(readout, a_flat, u_flat, src, dst, w, w_readout):
    out_type = (jax.ShapeDtypeStruct((NW * L,), jnp.float32) if readout
                else jax.ShapeDtypeStruct((F * N,), jnp.float32))
    return pl.kernel(
        functools.partial(_spmm_body, readout),
        mesh=plsc.VectorSubcoreMesh(core_axis_name="c", subcore_axis_name="s"),
        compiler_params=pltpu.CompilerParams(needs_layout_passes=False),
        out_type=out_type,
        scratch_types=[
            pltpu.VMEM((RPW,), jnp.float32),
            pltpu.VMEM((RPW,), jnp.float32),
            pltpu.VMEM((CHUNK,), jnp.int32),
            pltpu.VMEM((CHUNK,), jnp.int32),
            pltpu.VMEM((CHUNK,), jnp.int32),
            pltpu.VMEM((CHUNK,), jnp.int32),
            pltpu.VMEM((CHUNK,), jnp.float32),
            pltpu.VMEM((CHUNK,), jnp.float32),
            pltpu.SemaphoreType.DMA,
            pltpu.SemaphoreType.DMA,
            pltpu.SemaphoreType.DMA,
            pltpu.SemaphoreType.DMA,
        ],
    )(a_flat, u_flat, src, dst, w, w_readout)


def _tc_pre_kernel(x_ref, h0_ref, h1_ref, b_ref, u_ref, a_ref):
    x = x_ref[...]
    u_ref[...] = jnp.dot(h0_ref[...], x,
                         preferred_element_type=jnp.float32) + b_ref[...]
    a_ref[...] = jnp.dot(h1_ref[...], x, preferred_element_type=jnp.float32)


def _tc_pre(x, h0, h1, b):
    return pl.pallas_call(
        _tc_pre_kernel,
        out_shape=[
            jax.ShapeDtypeStruct((F, N), jnp.float32),
            jax.ShapeDtypeStruct((F, N), jnp.float32),
        ],
    )(x, h0, h1, b)


def kernel(x, edge_index_clique, edge_weight_clique, edge_index_line,
           edge_weight_line, h_clique, b_clique, h_line, b_line, W_mlp, b_mlp):
    X = x[0]

    h0c = h_clique[:, 0, 0, :]
    h1c = h_clique[:, 0, 1, :]
    h0l = h_line[:, 0, 0, :]
    h1l = h_line[:, 0, 1, :]

    src_c = edge_index_clique[1].astype(jnp.int32)
    dst_c = edge_index_clique[0].astype(jnp.int32)
    src_l = edge_index_line[1].astype(jnp.int32)
    dst_l = edge_index_line[0].astype(jnp.int32)
    w_flat = W_mlp.reshape(F * N)

    u1, a1 = _tc_pre(X, h0c, h1c, b_clique)
    y1 = _spmm_sc(False, a1.reshape(F * N), u1.reshape(F * N),
                  src_c, dst_c, edge_weight_clique, w_flat)
    u2, a2 = _tc_pre(y1.reshape(F, N), h0l, h1l, b_line)
    parts = _spmm_sc(True, a2.reshape(F * N), u2.reshape(F * N),
                     src_l, dst_l, edge_weight_line, w_flat)
    return (jnp.sum(parts) + b_mlp[0]).reshape(1, 1)

# --- scband reference (transcript-rebuilt; emitter-appended) ---
"""Pipeline reference for scband-selection-gnn-clique-line-6090263626210 (READ-ONLY COPY).

The authoritative reference and input builder live on the scoring server;
editing this copy changes nothing except your own understanding.
"""

import jax, jax.numpy as jnp
import numpy as np

N = 10000
E = 320000
F = 128
K = 2
B = 1


def _spmm(edge_index, edge_weight, x):
    # S @ x along last axis. S[dst, src] = w. x: [B, F, N]
    dst = edge_index[0]
    src = edge_index[1]
    vals = x[:, :, src] * edge_weight[None, None, :]
    return jnp.zeros_like(x).at[:, :, dst].add(vals)


def _graph_filter(x, edge_index, edge_weight, h, b):
    # h: [F_out, E_feat=1, K, F_in]; b: [F_out, 1]
    zs = [x]
    zk = x
    for k in range(1, K):
        zk = _spmm(edge_index, edge_weight, zk)
        zs.append(zk)
    z = jnp.stack(zs, 0)  # [K, B, F_in, N]
    y = jnp.einsum('gkf,kbfn->bgn', h[:, 0], z)
    return y + b[None, :, :]


def setup_inputs(seed: int = 0) -> dict:
    key = jax.random.key(seed)
    ks = jax.random.split(key, 12)
    x = jax.random.normal(ks[0], (B, F, N), dtype=jnp.float32)
    edge_index_clique = jax.random.randint(ks[1], (2, E), 0, N)
    edge_weight_clique = jax.random.uniform(ks[2], (E,), dtype=jnp.float32)
    edge_index_line = jax.random.randint(ks[3], (2, E), 0, N)
    edge_weight_line = jax.random.uniform(ks[4], (E,), dtype=jnp.float32)
    s = 1.0 / np.sqrt(F * K)
    h_clique = jax.random.normal(ks[5], (F, 1, K, F), dtype=jnp.float32) * s
    b_clique = jax.random.normal(ks[6], (F, 1), dtype=jnp.float32) * s
    h_line = jax.random.normal(ks[7], (F, 1, K, F), dtype=jnp.float32) * s
    b_line = jax.random.normal(ks[8], (F, 1), dtype=jnp.float32) * s
    W_mlp = jax.random.normal(ks[9], (1, F * N), dtype=jnp.float32) * (1.0 / np.sqrt(F * N))
    b_mlp = jax.random.normal(ks[10], (1,), dtype=jnp.float32) * 0.01
    return {
        'x': x,
        'edge_index_clique': edge_index_clique,
        'edge_weight_clique': edge_weight_clique,
        'edge_index_line': edge_index_line,
        'edge_weight_line': edge_weight_line,
        'h_clique': h_clique,
        'b_clique': b_clique,
        'h_line': h_line,
        'b_line': b_line,
        'W_mlp': W_mlp,
        'b_mlp': b_mlp,
    }


def reference(x, edge_index_clique, edge_weight_clique, edge_index_line,
              edge_weight_line, h_clique, b_clique, h_line, b_line, W_mlp, b_mlp):
    # Clique-expansion graph filtering layer + ReLU + NoPool (keep all N nodes)
    y = _graph_filter(x, edge_index_clique, edge_weight_clique, h_clique, b_clique)
    y = jax.nn.relu(y)
    # Line-expansion graph filtering layer + ReLU + NoPool
    y = _graph_filter(y, edge_index_line, edge_weight_line, h_line, b_line)
    y = jax.nn.relu(y)
    # MLP readout on flattened node signals: [B, F*N] -> [B, 1]
    yflat = y.reshape(B, -1)
    out = yflat @ W_mlp.T + b_mlp[None, :]
    return out

if __name__ == "__main__":
    import jax
    _d = setup_inputs()
    print(jax.jit(kernel)(*tuple(_d.values())))

</pallas_src>

<mosaic_0001>
#map = affine_map<(d0, d1) -> (0)>
module attributes {stable_mosaic.version = 14 : i64} {
  func.func @_spmm_body(%arg0: i32, %arg1: i32, %arg2: memref<1280000xf32, #tpu.memory_space<hbm>>, %arg3: memref<1280000xf32, #tpu.memory_space<hbm>>, %arg4: memref<320000xi32, #tpu.memory_space<hbm>>, %arg5: memref<320000xi32, #tpu.memory_space<hbm>>, %arg6: memref<320000xf32, #tpu.memory_space<hbm>>, %arg7: memref<1280000xf32, #tpu.memory_space<hbm>>, %arg8: memref<512xf32, #tpu.memory_space<hbm>>, %arg9: memref<40000xf32, #tpu.memory_space<vmem>>, %arg10: memref<40000xf32, #tpu.memory_space<vmem>>, %arg11: memref<4000xi32, #tpu.memory_space<vmem>>, %arg12: memref<4000xi32, #tpu.memory_space<vmem>>, %arg13: memref<4000xi32, #tpu.memory_space<vmem>>, %arg14: memref<4000xi32, #tpu.memory_space<vmem>>, %arg15: memref<4000xf32, #tpu.memory_space<vmem>>, %arg16: memref<4000xf32, #tpu.memory_space<vmem>>, %arg17: memref<!tpu.dma_semaphore, #tpu.memory_space<semaphore_mem>>, %arg18: memref<!tpu.dma_semaphore, #tpu.memory_space<semaphore_mem>>, %arg19: memref<!tpu.dma_semaphore, #tpu.memory_space<semaphore_mem>>, %arg20: memref<!tpu.dma_semaphore, #tpu.memory_space<semaphore_mem>>) attributes {dimension_semantics = [#tpu.dimension_semantics<core_parallel>, #tpu.dimension_semantics<subcore_parallel>], iteration_bounds = array<i64: 2, 16>, scalar_prefetch = 0 : i64, scratch_operands = 12 : i64, tpu.core_type = #tpu.core_type<sc_vector_subcore>, window_params = [{transform_indices = #map}, {transform_indices = #map}, {transform_indices = #map}, {transform_indices = #map}, {transform_indices = #map}, {transform_indices = #map}, {transform_indices = #map}]} {
    %mul3A = arith.constant 2 : i32
    %mul3A_0 = arith.muli %arg1, %mul3A : i32
    %add3A = arith.addi %mul3A_0, %arg0 : i32
    %mul3A_1 = arith.constant 40000 : i32
    %mul3A_2 = arith.muli %add3A, %mul3A_1 : i32
    %dma_start3A = tpu.memref_slice %arg2[%mul3A_2] : memref<1280000xf32, #tpu.memory_space<hbm>> -> memref<40000xf32, #tpu.memory_space<hbm>>
    %dma_start3A_3 = tpu.memref_slice %arg2[%mul3A_2] : memref<1280000xf32, #tpu.memory_space<hbm>> -> memref<40000xf32, #tpu.memory_space<hbm>>
    tpu.enqueue_dma source(%dma_start3A_3 : memref<40000xf32, #tpu.memory_space<hbm>>) target(%arg9 : memref<40000xf32, #tpu.memory_space<vmem>>) target_semaphore(%arg19 : memref<!tpu.dma_semaphore, #tpu.memory_space<semaphore_mem>>)
    %dma_start3A_4 = tpu.memref_slice %arg3[%mul3A_2] : memref<1280000xf32, #tpu.memory_space<hbm>> -> memref<40000xf32, #tpu.memory_space<hbm>>
    %dma_start3A_5 = tpu.memref_slice %arg3[%mul3A_2] : memref<1280000xf32, #tpu.memory_space<hbm>> -> memref<40000xf32, #tpu.memory_space<hbm>>
    tpu.enqueue_dma source(%dma_start3A_5 : memref<40000xf32, #tpu.memory_space<hbm>>) target(%arg10 : memref<40000xf32, #tpu.memory_space<vmem>>) target_semaphore(%arg20 : memref<!tpu.dma_semaphore, #tpu.memory_space<semaphore_mem>>)
    %dma_start3A_6 = arith.constant 0 : i32
    %dma_start3A_7 = tpu.memref_slice %arg4[%dma_start3A_6] : memref<320000xi32, #tpu.memory_space<hbm>> -> memref<4000xi32, #tpu.memory_space<hbm>>
    %dma_start3A_8 = arith.constant 0 : i32
    %dma_start3A_9 = tpu.memref_slice %arg4[%dma_start3A_8] : memref<320000xi32, #tpu.memory_space<hbm>> -> memref<4000xi32, #tpu.memory_space<hbm>>
    tpu.enqueue_dma source(%dma_start3A_9 : memref<4000xi32, #tpu.memory_space<hbm>>) target(%arg11 : memref<4000xi32, #tpu.memory_space<vmem>>) target_semaphore(%arg17 : memref<!tpu.dma_semaphore, #tpu.memory_space<semaphore_mem>>)
    %dma_start3A_10 = arith.constant 0 : i32
    %dma_start3A_11 = tpu.memref_slice %arg5[%dma_start3A_10] : memref<320000xi32, #tpu.memory_space<hbm>> -> memref<4000xi32, #tpu.memory_space<hbm>>
    %dma_start3A_12 = arith.constant 0 : i32
    %dma_start3A_13 = tpu.memref_slice %arg5[%dma_start3A_12] : memref<320000xi32, #tpu.memory_space<hbm>> -> memref<4000xi32, #tpu.memory_space<hbm>>
    tpu.enqueue_dma source(%dma_start3A_13 : memref<4000xi32, #tpu.memory_space<hbm>>) target(%arg13 : memref<4000xi32, #tpu.memory_space<vmem>>) target_semaphore(%arg17 : memref<!tpu.dma_semaphore, #tpu.memory_space<semaphore_mem>>)
    %dma_start3A_14 = arith.constant 0 : i32
    %dma_start3A_15 = tpu.memref_slice %arg6[%dma_start3A_14] : memref<320000xf32, #tpu.memory_space<hbm>> -> memref<4000xf32, #tpu.memory_space<hbm>>
    %dma_start3A_16 = arith.constant 0 : i32
    %dma_start3A_17 = tpu.memref_slice %arg6[%dma_start3A_16] : memref<320000xf32, #tpu.memory_space<hbm>> -> memref<4000xf32, #tpu.memory_space<hbm>>
    tpu.enqueue_dma source(%dma_start3A_17 : memref<4000xf32, #tpu.memory_space<hbm>>) target(%arg15 : memref<4000xf32, #tpu.memory_space<vmem>>) target_semaphore(%arg17 : memref<!tpu.dma_semaphore, #tpu.memory_space<semaphore_mem>>)
    %dma_start3A_18 = arith.constant 4000 : i32
    %dma_start3A_19 = tpu.memref_slice %arg4[%dma_start3A_18] : memref<320000xi32, #tpu.memory_space<hbm>> -> memref<4000xi32, #tpu.memory_space<hbm>>
    %dma_start3A_20 = arith.constant 4000 : i32
    %dma_start3A_21 = tpu.memref_slice %arg4[%dma_start3A_20] : memref<320000xi32, #tpu.memory_space<hbm>> -> memref<4000xi32, #tpu.memory_space<hbm>>
    tpu.enqueue_dma source(%dma_start3A_21 : memref<4000xi32, #tpu.memory_space<hbm>>) target(%arg12 : memref<4000xi32, #tpu.memory_space<vmem>>) target_semaphore(%arg18 : memref<!tpu.dma_semaphore, #tpu.memory_space<semaphore_mem>>)
    %dma_start3A_22 = arith.constant 4000 : i32
    %dma_start3A_23 = tpu.memref_slice %arg5[%dma_start3A_22] : memref<320000xi32, #tpu.memory_space<hbm>> -> memref<4000xi32, #tpu.memory_space<hbm>>
    %dma_start3A_24 = arith.constant 4000 : i32
    %dma_start3A_25 = tpu.memref_slice %arg5[%dma_start3A_24] : memref<320000xi32, #tpu.memory_space<hbm>> -> memref<4000xi32, #tpu.memory_space<hbm>>
    tpu.enqueue_dma source(%dma_start3A_25 : memref<4000xi32, #tpu.memory_space<hbm>>) target(%arg14 : memref<4000xi32, #tpu.memory_space<vmem>>) target_semaphore(%arg18 : memref<!tpu.dma_semaphore, #tpu.memory_space<semaphore_mem>>)
    %dma_start3A_26 = arith.constant 4000 : i32
    %dma_start3A_27 = tpu.memref_slice %arg6[%dma_start3A_26] : memref<320000xf32, #tpu.memory_space<hbm>> -> memref<4000xf32, #tpu.memory_space<hbm>>
    %dma_start3A_28 = arith.constant 4000 : i32
    %dma_start3A_29 = tpu.memref_slice %arg6[%dma_start3A_28] : memref<320000xf32, #tpu.memory_space<hbm>> -> memref<4000xf32, #tpu.memory_space<hbm>>
    tpu.enqueue_dma source(%dma_start3A_29 : memref<4000xf32, #tpu.memory_space<hbm>>) target(%arg16 : memref<4000xf32, #tpu.memory_space<vmem>>) target_semaphore(%arg18 : memref<!tpu.dma_semaphore, #tpu.memory_space<semaphore_mem>>)
    %dma_wait3A = tpu.memref_slice %arg2[%mul3A_2] : memref<1280000xf32, #tpu.memory_space<hbm>> -> memref<40000xf32, #tpu.memory_space<hbm>>
    %dma_wait3A_30 = tpu.memref_slice %arg2[%mul3A_2] : memref<1280000xf32, #tpu.memory_space<hbm>> -> memref<40000xf32, #tpu.memory_space<hbm>>
    tpu.wait_dma2 semaphore(%arg19 : memref<!tpu.dma_semaphore, #tpu.memory_space<semaphore_mem>>) src(%dma_wait3A_30 : memref<40000xf32, #tpu.memory_space<hbm>>) dst(%arg9 : memref<40000xf32, #tpu.memory_space<vmem>>)
    %dma_wait3A_31 = tpu.memref_slice %arg3[%mul3A_2] : memref<1280000xf32, #tpu.memory_space<hbm>> -> memref<40000xf32, #tpu.memory_space<hbm>>
    %dma_wait3A_32 = tpu.memref_slice %arg3[%mul3A_2] : memref<1280000xf32, #tpu.memory_space<hbm>> -> memref<40000xf32, #tpu.memory_space<hbm>>
    tpu.wait_dma2 semaphore(%arg20 : memref<!tpu.dma_semaphore, #tpu.memory_space<semaphore_mem>>) src(%dma_wait3A_32 : memref<40000xf32, #tpu.memory_space<hbm>>) dst(%arg10 : memref<40000xf32, #tpu.memory_space<vmem>>)
    %scan3A = arith.constant 0 : i32
    %scan3A_33 = arith.constant 0 : i32
    %scan3A_34 = arith.constant 40 : i32
    %scan3A_35 = arith.addi %scan3A_33, %scan3A_34 : i32
    %scan3A_36 = arith.constant 1 : i32
    scf.for %scan3A_54 = %scan3A_33 to %scan3A_35 step %scan3A_36  : i32 {
      %mul3A_55 = arith.constant 2 : i32
      %mul3A_56 = arith.muli %scan3A_54, %mul3A_55 : i32
      %add3A_57 = arith.constant 0 : i32
      %add3A_58 = arith.addi %mul3A_56, %add3A_57 : i32
      %mul3A_59 = arith.constant 4000 : i32
      %mul3A_60 = arith.muli %add3A_58, %mul3A_59 : i32
      %dma_wait3A_61 = tpu.memref_slice %arg4[%mul3A_60] : memref<320000xi32, #tpu.memory_space<hbm>> -> memref<4000xi32, #tpu.memory_space<hbm>>
      %dma_wait3A_62 = tpu.memref_slice %arg4[%mul3A_60] : memref<320000xi32, #tpu.memory_space<hbm>> -> memref<4000xi32, #tpu.memory_space<hbm>>
      tpu.wait_dma2 semaphore(%arg17 : memref<!tpu.dma_semaphore, #tpu.memory_space<semaphore_mem>>) src(%dma_wait3A_62 : memref<4000xi32, #tpu.memory_space<hbm>>) dst(%arg11 : memref<4000xi32, #tpu.memory_space<vmem>>)
      %dma_wait3A_63 = tpu.memref_slice %arg5[%mul3A_60] : memref<320000xi32, #tpu.memory_space<hbm>> -> memref<4000xi32, #tpu.memory_space<hbm>>
      %dma_wait3A_64 = tpu.memref_slice %arg5[%mul3A_60] : memref<320000xi32, #tpu.memory_space<hbm>> -> memref<4000xi32, #tpu.memory_space<hbm>>
      tpu.wait_dma2 semaphore(%arg17 : memref<!tpu.dma_semaphore, #tpu.memory_space<semaphore_mem>>) src(%dma_wait3A_64 : memref<4000xi32, #tpu.memory_space<hbm>>) dst(%arg13 : memref<4000xi32, #tpu.memory_space<vmem>>)
      %dma_wait3A_65 = tpu.memref_slice %arg6[%mul3A_60] : memref<320000xf32, #tpu.memory_space<hbm>> -> memref<4000xf32, #tpu.memory_space<hbm>>
      %dma_wait3A_66 = tpu.memref_slice %arg6[%mul3A_60] : memref<320000xf32, #tpu.memory_space<hbm>> -> memref<4000xf32, #tpu.memory_space<hbm>>
      tpu.wait_dma2 semaphore(%arg17 : memref<!tpu.dma_semaphore, #tpu.memory_space<semaphore_mem>>) src(%dma_wait3A_66 : memref<4000xf32, #tpu.memory_space<hbm>>) dst(%arg15 : memref<4000xf32, #tpu.memory_space<vmem>>)
      %parallel_loop3A = arith.constant 0 : i32
      %parallel_loop3A_67 = arith.constant 250 : i32
      %parallel_loop3A_68 = arith.constant 1 : i32
      scf.for %parallel_loop3A_93 = %parallel_loop3A to %parallel_loop3A_67 step %parallel_loop3A_68  : i32 {
        %parallel_loop3A_94 = arith.constant 16 : i32
        %parallel_loop3A_95 = arith.muli %parallel_loop3A_93, %parallel_loop3A_94 : i32
        %parallel_loop3A_96 = arith.index_cast %parallel_loop3A_95 : i32 to index
        %parallel_loop3A_97 = tpu.vector_load %arg11[%parallel_loop3A_96] {strides = array<i32>} : memref<4000xi32, #tpu.memory_space<vmem>>, vector<16xi32>,
        %parallel_loop3A_98 = arith.constant 16 : i32
        %parallel_loop3A_99 = arith.muli %parallel_loop3A_93, %parallel_loop3A_98 : i32
        %parallel_loop3A_100 = arith.index_cast %parallel_loop3A_99 : i32 to index
        %parallel_loop3A_101 = tpu.vector_load %arg13[%parallel_loop3A_100] {strides = array<i32>} : memref<4000xi32, #tpu.memory_space<vmem>>, vector<16xi32>,
        %parallel_loop3A_102 = arith.constant 16 : i32
        %parallel_loop3A_103 = arith.muli %parallel_loop3A_93, %parallel_loop3A_102 : i32
        %parallel_loop3A_104 = arith.index_cast %parallel_loop3A_103 : i32 to index
        %parallel_loop3A_105 = tpu.vector_load %arg15[%parallel_loop3A_104] {strides = array<i32>} : memref<4000xf32, #tpu.memory_space<vmem>>, vector<16xf32>,
        %parallel_loop3A_106 = arith.constant 0 : i32
        %parallel_loop3A_107 = vector.broadcast %parallel_loop3A_106 : i32 to vector<16xi32>
        %parallel_loop3A_108 = arith.addi %parallel_loop3A_97, %parallel_loop3A_107 : vector<16xi32>
        %parallel_loop3A_109 = tpu.vector_load_idx %arg9[%parallel_loop3A_108] : memref<40000xf32, #tpu.memory_space<vmem>>[vector<16xi32>], vector<16xf32>,
        %parallel_loop3A_110 = arith.constant 0 : i32
        %parallel_loop3A_111 = vector.broadcast %parallel_loop3A_110 : i32 to vector<16xi32>
        %parallel_loop3A_112 = arith.addi %parallel_loop3A_101, %parallel_loop3A_111 : vector<16xi32>
        %parallel_loop3A_113 = arith.mulf %parallel_loop3A_109, %parallel_loop3A_105 : vector<16xf32>
        tpu.vector_store_idx %arg10[%parallel_loop3A_112], %parallel_loop3A_113 {add = true} : memref<40000xf32, #tpu.memory_space<vmem>>[vector<16xi32>], vector<16xf32>,
        %parallel_loop3A_114 = arith.constant 10000 : i32
        %parallel_loop3A_115 = vector.broadcast %parallel_loop3A_114 : i32 to vector<16xi32>
        %parallel_loop3A_116 = arith.addi %parallel_loop3A_97, %parallel_loop3A_115 : vector<16xi32>
        %parallel_loop3A_117 = tpu.vector_load_idx %arg9[%parallel_loop3A_116] : memref<40000xf32, #tpu.memory_space<vmem>>[vector<16xi32>], vector<16xf32>,
        %parallel_loop3A_118 = arith.constant 10000 : i32
        %parallel_loop3A_119 = vector.broadcast %parallel_loop3A_118 : i32 to vector<16xi32>
        %parallel_loop3A_120 = arith.addi %parallel_loop3A_101, %parallel_loop3A_119 : vector<16xi32>
        %parallel_loop3A_121 = arith.mulf %parallel_loop3A_117, %parallel_loop3A_105 : vector<16xf32>
        tpu.vector_store_idx %arg10[%parallel_loop3A_120], %parallel_loop3A_121 {add = true} : memref<40000xf32, #tpu.memory_space<vmem>>[vector<16xi32>], vector<16xf32>,
        %parallel_loop3A_122 = arith.constant 20000 : i32
        %parallel_loop3A_123 = vector.broadcast %parallel_loop3A_122 : i32 to vector<16xi32>
        %parallel_loop3A_124 = arith.addi %parallel_loop3A_97, %parallel_loop3A_123 : vector<16xi32>
        %parallel_loop3A_125 = tpu.vector_load_idx %arg9[%parallel_loop3A_124] : memref<40000xf32, #tpu.memory_space<vmem>>[vector<16xi32>], vector<16xf32>,
        %parallel_loop3A_126 = arith.constant 20000 : i32
        %parallel_loop3A_127 = vector.broadcast %parallel_loop3A_126 : i32 to vector<16xi32>
        %parallel_loop3A_128 = arith.addi %parallel_loop3A_101, %parallel_loop3A_127 : vector<16xi32>
        %parallel_loop3A_129 = arith.mulf %parallel_loop3A_125, %parallel_loop3A_105 : vector<16xf32>
        tpu.vector_store_idx %arg10[%parallel_loop3A_128], %parallel_loop3A_129 {add = true} : memref<40000xf32, #tpu.memory_space<vmem>>[vector<16xi32>], vector<16xf32>,
        %parallel_loop3A_130 = arith.constant 30000 : i32
        %parallel_loop3A_131 = vector.broadcast %parallel_loop3A_130 : i32 to vector<16xi32>
        %parallel_loop3A_132 = arith.addi %parallel_loop3A_97, %parallel_loop3A_131 : vector<16xi32>
        %parallel_loop3A_133 = tpu.vector_load_idx %arg9[%parallel_loop3A_132] : memref<40000xf32, #tpu.memory_space<vmem>>[vector<16xi32>], vector<16xf32>,
        %parallel_loop3A_134 = arith.constant 30000 : i32
        %parallel_loop3A_135 = vector.broadcast %parallel_loop3A_134 : i32 to vector<16xi32>
        %parallel_loop3A_136 = arith.addi %parallel_loop3A_101, %parallel_loop3A_135 : vector<16xi32>
        %parallel_loop3A_137 = arith.mulf %parallel_loop3A_133, %parallel_loop3A_105 : vector<16xf32>
        tpu.vector_store_idx %arg10[%parallel_loop3A_136], %parallel_loop3A_137 {add = true} : memref<40000xf32, #tpu.memory_space<vmem>>[vector<16xi32>], vector<16xf32>,
      } {sc.loop_unroll_factor = 5 : i64, sc.parallel_access}
      %add3A_69 = arith.constant 2 : i32
      %add3A_70 = arith.addi %add3A_58, %add3A_69 : i32
      %lt3A = arith.constant 80 : i32
      %lt3A_71 = arith.cmpi slt, %add3A_70, %lt3A : i32
      %convert_element_type3A = arith.extui %lt3A_71 : i1 to i32
      %cond3A = arith.constant 0 : i32
      %cond3A_72 = arith.cmpi ne, %convert_element_type3A, %cond3A : i32
      scf.if %cond3A_72 {
        %add3A_93 = arith.constant 2 : i32
        %add3A_94 = arith.addi %add3A_58, %add3A_93 : i32
        %mul3A_95 = arith.constant 4000 : i32
        %mul3A_96 = arith.muli %add3A_94, %mul3A_95 : i32
        %dma_start3A_97 = tpu.memref_slice %arg4[%mul3A_96] : memref<320000xi32, #tpu.memory_space<hbm>> -> memref<4000xi32, #tpu.memory_space<hbm>>
        %dma_start3A_98 = tpu.memref_slice %arg4[%mul3A_96] : memref<320000xi32, #tpu.memory_space<hbm>> -> memref<4000xi32, #tpu.memory_space<hbm>>
        tpu.enqueue_dma source(%dma_start3A_98 : memref<4000xi32, #tpu.memory_space<hbm>>) target(%arg11 : memref<4000xi32, #tpu.memory_space<vmem>>) target_semaphore(%arg17 : memref<!tpu.dma_semaphore, #tpu.memory_space<semaphore_mem>>)
        %dma_start3A_99 = tpu.memref_slice %arg5[%mul3A_96] : memref<320000xi32, #tpu.memory_space<hbm>> -> memref<4000xi32, #tpu.memory_space<hbm>>
        %dma_start3A_100 = tpu.memref_slice %arg5[%mul3A_96] : memref<320000xi32, #tpu.memory_space<hbm>> -> memref<4000xi32, #tpu.memory_space<hbm>>
        tpu.enqueue_dma source(%dma_start3A_100 : memref<4000xi32, #tpu.memory_space<hbm>>) target(%arg13 : memref<4000xi32, #tpu.memory_space<vmem>>) target_semaphore(%arg17 : memref<!tpu.dma_semaphore, #tpu.memory_space<semaphore_mem>>)
        %dma_start3A_101 = tpu.memref_slice %arg6[%mul3A_96] : memref<320000xf32, #tpu.memory_space<hbm>> -> memref<4000xf32, #tpu.memory_space<hbm>>
        %dma_start3A_102 = tpu.memref_slice %arg6[%mul3A_96] : memref<320000xf32, #tpu.memory_space<hbm>> -> memref<4000xf32, #tpu.memory_space<hbm>>
        tpu.enqueue_dma source(%dma_start3A_102 : memref<4000xf32, #tpu.memory_space<hbm>>) target(%arg15 : memref<4000xf32, #tpu.memory_space<vmem>>) target_semaphore(%arg17 : memref<!tpu.dma_semaphore, #tpu.memory_space<semaphore_mem>>)
      } else {
      }
      %add3A_73 = arith.constant 1 : i32
      %add3A_74 = arith.addi %mul3A_56, %add3A_73 : i32
      %mul3A_75 = arith.constant 4000 : i32
      %mul3A_76 = arith.muli %add3A_74, %mul3A_75 : i32
      %dma_wait3A_77 = tpu.memref_slice %arg4[%mul3A_76] : memref<320000xi32, #tpu.memory_space<hbm>> -> memref<4000xi32, #tpu.memory_space<hbm>>
      %dma_wait3A_78 = tpu.memref_slice %arg4[%mul3A_76] : memref<320000xi32, #tpu.memory_space<hbm>> -> memref<4000xi32, #tpu.memory_space<hbm>>
      tpu.wait_dma2 semaphore(%arg18 : memref<!tpu.dma_semaphore, #tpu.memory_space<semaphore_mem>>) src(%dma_wait3A_78 : memref<4000xi32, #tpu.memory_space<hbm>>) dst(%arg12 : memref<4000xi32, #tpu.memory_space<vmem>>)
      %dma_wait3A_79 = tpu.memref_slice %arg5[%mul3A_76] : memref<320000xi32, #tpu.memory_space<hbm>> -> memref<4000xi32, #tpu.memory_space<hbm>>
      %dma_wait3A_80 = tpu.memref_slice %arg5[%mul3A_76] : memref<320000xi32, #tpu.memory_space<hbm>> -> memref<4000xi32, #tpu.memory_space<hbm>>
      tpu.wait_dma2 semaphore(%arg18 : memref<!tpu.dma_semaphore, #tpu.memory_space<semaphore_mem>>) src(%dma_wait3A_80 : memref<4000xi32, #tpu.memory_space<hbm>>) dst(%arg14 : memref<4000xi32, #tpu.memory_space<vmem>>)
      %dma_wait3A_81 = tpu.memref_slice %arg6[%mul3A_76] : memref<320000xf32, #tpu.memory_space<hbm>> -> memref<4000xf32, #tpu.memory_space<hbm>>
      %dma_wait3A_82 = tpu.memref_slice %arg6[%mul3A_76] : memref<320000xf32, #tpu.memory_space<hbm>> -> memref<4000xf32, #tpu.memory_space<hbm>>
      tpu.wait_dma2 semaphore(%arg18 : memref<!tpu.dma_semaphore, #tpu.memory_space<semaphore_mem>>) src(%dma_wait3A_82 : memref<4000xf32, #tpu.memory_space<hbm>>) dst(%arg16 : memref<4000xf32, #tpu.memory_space<vmem>>)
      %parallel_loop3A_83 = arith.constant 0 : i32
      %parallel_loop3A_84 = arith.constant 250 : i32
      %parallel_loop3A_85 = arith.constant 1 : i32
      scf.for %parallel_loop3A_93 = %parallel_loop3A_83 to %parallel_loop3A_84 step %parallel_loop3A_85  : i32 {
        %parallel_loop3A_94 = arith.constant 16 : i32
        %parallel_loop3A_95 = arith.muli %parallel_loop3A_93, %parallel_loop3A_94 : i32
        %parallel_loop3A_96 = arith.index_cast %parallel_loop3A_95 : i32 to index
        %parallel_loop3A_97 = tpu.vector_load %arg12[%parallel_loop3A_96] {strides = array<i32>} : memref<4000xi32, #tpu.memory_space<vmem>>, vector<16xi32>,
        %parallel_loop3A_98 = arith.constant 16 : i32
        %parallel_loop3A_99 = arith.muli %parallel_loop3A_93, %parallel_loop3A_98 : i32
        %parallel_loop3A_100 = arith.index_cast %parallel_loop3A_99 : i32 to index
        %parallel_loop3A_101 = tpu.vector_load %arg14[%parallel_loop3A_100] {strides = array<i32>} : memref<4000xi32, #tpu.memory_space<vmem>>, vector<16xi32>,
        %parallel_loop3A_102 = arith.constant 16 : i32
        %parallel_loop3A_103 = arith.muli %parallel_loop3A_93, %parallel_loop3A_102 : i32
        %parallel_loop3A_104 = arith.index_cast %parallel_loop3A_103 : i32 to index
        %parallel_loop3A_105 = tpu.vector_load %arg16[%parallel_loop3A_104] {strides = array<i32>} : memref<4000xf32, #tpu.memory_space<vmem>>, vector<16xf32>,
        %parallel_loop3A_106 = arith.constant 0 : i32
        %parallel_loop3A_107 = vector.broadcast %parallel_loop3A_106 : i32 to vector<16xi32>
        %parallel_loop3A_108 = arith.addi %parallel_loop3A_97, %parallel_loop3A_107 : vector<16xi32>
        %parallel_loop3A_109 = tpu.vector_load_idx %arg9[%parallel_loop3A_108] : memref<40000xf32, #tpu.memory_space<vmem>>[vector<16xi32>], vector<16xf32>,
        %parallel_loop3A_110 = arith.constant 0 : i32
        %parallel_loop3A_111 = vector.broadcast %parallel_loop3A_110 : i32 to vector<16xi32>
        %parallel_loop3A_112 = arith.addi %parallel_loop3A_101, %parallel_loop3A_111 : vector<16xi32>
        %parallel_loop3A_113 = arith.mulf %parallel_loop3A_109, %parallel_loop3A_105 : vector<16xf32>
        tpu.vector_store_idx %arg10[%parallel_loop3A_112], %parallel_loop3A_113 {add = true} : memref<40000xf32, #tpu.memory_space<vmem>>[vector<16xi32>], vector<16xf32>,
        %parallel_loop3A_114 = arith.constant 10000 : i32
        %parallel_loop3A_115 = vector.broadcast %parallel_loop3A_114 : i32 to vector<16xi32>
        %parallel_loop3A_116 = arith.addi %parallel_loop3A_97, %parallel_loop3A_115 : vector<16xi32>
        %parallel_loop3A_117 = tpu.vector_load_idx %arg9[%parallel_loop3A_116] : memref<40000xf32, #tpu.memory_space<vmem>>[vector<16xi32>], vector<16xf32>,
        %parallel_loop3A_118 = arith.constant 10000 : i32
        %parallel_loop3A_119 = vector.broadcast %parallel_loop3A_118 : i32 to vector<16xi32>
        %parallel_loop3A_120 = arith.addi %parallel_loop3A_101, %parallel_loop3A_119 : vector<16xi32>
        %parallel_loop3A_121 = arith.mulf %parallel_loop3A_117, %parallel_loop3A_105 : vector<16xf32>
        tpu.vector_store_idx %arg10[%parallel_loop3A_120], %parallel_loop3A_121 {add = true} : memref<40000xf32, #tpu.memory_space<vmem>>[vector<16xi32>], vector<16xf32>,
        %parallel_loop3A_122 = arith.constant 20000 : i32
        %parallel_loop3A_123 = vector.broadcast %parallel_loop3A_122 : i32 to vector<16xi32>
        %parallel_loop3A_124 = arith.addi %parallel_loop3A_97, %parallel_loop3A_123 : vector<16xi32>
        %parallel_loop3A_125 = tpu.vector_load_idx %arg9[%parallel_loop3A_124] : memref<40000xf32, #tpu.memory_space<vmem>>[vector<16xi32>], vector<16xf32>,
        %parallel_loop3A_126 = arith.constant 20000 : i32
        %parallel_loop3A_127 = vector.broadcast %parallel_loop3A_126 : i32 to vector<16xi32>
        %parallel_loop3A_128 = arith.addi %parallel_loop3A_101, %parallel_loop3A_127 : vector<16xi32>
        %parallel_loop3A_129 = arith.mulf %parallel_loop3A_125, %parallel_loop3A_105 : vector<16xf32>
        tpu.vector_store_idx %arg10[%parallel_loop3A_128], %parallel_loop3A_129 {add = true} : memref<40000xf32, #tpu.memory_space<vmem>>[vector<16xi32>], vector<16xf32>,
        %parallel_loop3A_130 = arith.constant 30000 : i32
        %parallel_loop3A_131 = vector.broadcast %parallel_loop3A_130 : i32 to vector<16xi32>
        %parallel_loop3A_132 = arith.addi %parallel_loop3A_97, %parallel_loop3A_131 : vector<16xi32>
        %parallel_loop3A_133 = tpu.vector_load_idx %arg9[%parallel_loop3A_132] : memref<40000xf32, #tpu.memory_space<vmem>>[vector<16xi32>], vector<16xf32>,
        %parallel_loop3A_134 = arith.constant 30000 : i32
        %parallel_loop3A_135 = vector.broadcast %parallel_loop3A_134 : i32 to vector<16xi32>
        %parallel_loop3A_136 = arith.addi %parallel_loop3A_101, %parallel_loop3A_135 : vector<16xi32>
        %parallel_loop3A_137 = arith.mulf %parallel_loop3A_133, %parallel_loop3A_105 : vector<16xf32>
        tpu.vector_store_idx %arg10[%parallel_loop3A_136], %parallel_loop3A_137 {add = true} : memref<40000xf32, #tpu.memory_space<vmem>>[vector<16xi32>], vector<16xf32>,
      } {sc.loop_unroll_factor = 5 : i64, sc.parallel_access}
      %add3A_86 = arith.constant 2 : i32
      %add3A_87 = arith.addi %add3A_74, %add3A_86 : i32
      %lt3A_88 = arith.constant 80 : i32
      %lt3A_89 = arith.cmpi slt, %add3A_87, %lt3A_88 : i32
      %convert_element_type3A_90 = arith.extui %lt3A_89 : i1 to i32
      %cond3A_91 = arith.constant 0 : i32
      %cond3A_92 = arith.cmpi ne, %convert_element_type3A_90, %cond3A_91 : i32
      scf.if %cond3A_92 {
        %add3A_93 = arith.constant 2 : i32
        %add3A_94 = arith.addi %add3A_74, %add3A_93 : i32
        %mul3A_95 = arith.constant 4000 : i32
        %mul3A_96 = arith.muli %add3A_94, %mul3A_95 : i32
        %dma_start3A_97 = tpu.memref_slice %arg4[%mul3A_96] : memref<320000xi32, #tpu.memory_space<hbm>> -> memref<4000xi32, #tpu.memory_space<hbm>>
        %dma_start3A_98 = tpu.memref_slice %arg4[%mul3A_96] : memref<320000xi32, #tpu.memory_space<hbm>> -> memref<4000xi32, #tpu.memory_space<hbm>>
        tpu.enqueue_dma source(%dma_start3A_98 : memref<4000xi32, #tpu.memory_space<hbm>>) target(%arg12 : memref<4000xi32, #tpu.memory_space<vmem>>) target_semaphore(%arg18 : memref<!tpu.dma_semaphore, #tpu.memory_space<semaphore_mem>>)
        %dma_start3A_99 = tpu.memref_slice %arg5[%mul3A_96] : memref<320000xi32, #tpu.memory_space<hbm>> -> memref<4000xi32, #tpu.memory_space<hbm>>
        %dma_start3A_100 = tpu.memref_slice %arg5[%mul3A_96] : memref<320000xi32, #tpu.memory_space<hbm>> -> memref<4000xi32, #tpu.memory_space<hbm>>
        tpu.enqueue_dma source(%dma_start3A_100 : memref<4000xi32, #tpu.memory_space<hbm>>) target(%arg14 : memref<4000xi32, #tpu.memory_space<vmem>>) target_semaphore(%arg18 : memref<!tpu.dma_semaphore, #tpu.memory_space<semaphore_mem>>)
        %dma_start3A_101 = tpu.memref_slice %arg6[%mul3A_96] : memref<320000xf32, #tpu.memory_space<hbm>> -> memref<4000xf32, #tpu.memory_space<hbm>>
        %dma_start3A_102 = tpu.memref_slice %arg6[%mul3A_96] : memref<320000xf32, #tpu.memory_space<hbm>> -> memref<4000xf32, #tpu.memory_space<hbm>>
        tpu.enqueue_dma source(%dma_start3A_102 : memref<4000xf32, #tpu.memory_space<hbm>>) target(%arg16 : memref<4000xf32, #tpu.memory_space<vmem>>) target_semaphore(%arg18 : memref<!tpu.dma_semaphore, #tpu.memory_space<semaphore_mem>>)
      } else {
      }
    }
    %scan3A_37 = arith.constant 40 : i32
    %dma_start3A_38 = tpu.memref_slice %arg7[%mul3A_2] : memref<1280000xf32, #tpu.memory_space<hbm>> -> memref<4000xf32, #tpu.memory_space<hbm>>
    %dma_start3A_39 = tpu.memref_slice %arg7[%mul3A_2] : memref<1280000xf32, #tpu.memory_space<hbm>> -> memref<4000xf32, #tpu.memory_space<hbm>>
    tpu.enqueue_dma source(%dma_start3A_39 : memref<4000xf32, #tpu.memory_space<hbm>>) target(%arg15 : memref<4000xf32, #tpu.memory_space<vmem>>) target_semaphore(%arg17 : memref<!tpu.dma_semaphore, #tpu.memory_space<semaphore_mem>>)
    %add3A_40 = arith.constant 4000 : i32
    %add3A_41 = arith.addi %mul3A_2, %add3A_40 : i32
    %dma_start3A_42 = tpu.memref_slice %arg7[%add3A_41] : memref<1280000xf32, #tpu.memory_space<hbm>> -> memref<4000xf32, #tpu.memory_space<hbm>>
    %dma_start3A_43 = tpu.memref_slice %arg7[%add3A_41] : memref<1280000xf32, #tpu.memory_space<hbm>> -> memref<4000xf32, #tpu.memory_space<hbm>>
    tpu.enqueue_dma source(%dma_start3A_43 : memref<4000xf32, #tpu.memory_space<hbm>>) target(%arg16 : memref<4000xf32, #tpu.memory_space<vmem>>) target_semaphore(%arg18 : memref<!tpu.dma_semaphore, #tpu.memory_space<semaphore_mem>>)
    %broadcast_in_dim3A = arith.constant 0.000000e+00 : f32
    %broadcast_in_dim3A_44 = vector.broadcast %broadcast_in_dim3A : f32 to vector<16xf32>
    %scan3A_45 = arith.constant 0 : i32
    %scan3A_46 = arith.constant 5 : i32
    %scan3A_47 = arith.addi %scan3A_45, %scan3A_46 : i32
    %scan3A_48 = arith.constant 1 : i32
    %scan3A_49 = scf.for %scan3A_54 = %scan3A_45 to %scan3A_47 step %scan3A_48 iter_args(%scan3A_55 = %broadcast_in_dim3A_44) -> (vector<16xf32>)  : i32 {
      %mul3A_56 = arith.constant 2 : i32
      %mul3A_57 = arith.muli %scan3A_54, %mul3A_56 : i32
      %add3A_58 = arith.constant 0 : i32
      %add3A_59 = arith.addi %mul3A_57, %add3A_58 : i32
      %mul3A_60 = arith.constant 4000 : i32
      %mul3A_61 = arith.muli %add3A_59, %mul3A_60 : i32
      %add3A_62 = arith.addi %mul3A_2, %mul3A_61 : i32
      %dma_wait3A_63 = tpu.memref_slice %arg7[%add3A_62] : memref<1280000xf32, #tpu.memory_space<hbm>> -> memref<4000xf32, #tpu.memory_space<hbm>>
      %dma_wait3A_64 = tpu.memref_slice %arg7[%add3A_62] : memref<1280000xf32, #tpu.memory_space<hbm>> -> memref<4000xf32, #tpu.memory_space<hbm>>
      tpu.wait_dma2 semaphore(%arg17 : memref<!tpu.dma_semaphore, #tpu.memory_space<semaphore_mem>>) src(%dma_wait3A_64 : memref<4000xf32, #tpu.memory_space<hbm>>) dst(%arg15 : memref<4000xf32, #tpu.memory_space<vmem>>)
      %scan3A_65 = arith.constant 0 : i32
      %scan3A_66 = arith.constant 248 : i32
      %scan3A_67 = arith.addi %scan3A_65, %scan3A_66 : i32
      %scan3A_68 = arith.constant 4 : i32
      %scan3A_69 = scf.for %scan3A_159 = %scan3A_65 to %scan3A_67 step %scan3A_68 iter_args(%scan3A_160 = %scan3A_55) -> (vector<16xf32>)  : i32 {
        %mul3A_161 = arith.constant 16 : i32
        %mul3A_162 = arith.muli %scan3A_159, %mul3A_161 : i32
        %add3A_163 = arith.addi %mul3A_61, %mul3A_162 : i32
        %get3A_164 = arith.index_cast %add3A_163 : i32 to index
        %get3A_165 = tpu.vector_load %arg10[%get3A_164] {strides = array<i32>} : memref<40000xf32, #tpu.memory_space<vmem>>, vector<16xf32>,
        %max3A_166 = arith.constant 0.000000e+00 : f32
        %max3A_167 = vector.broadcast %max3A_166 : f32 to vector<16xf32>
        %max3A_168 = arith.maximumf %get3A_165, %max3A_167 : vector<16xf32>
        %mul3A_169 = arith.constant 16 : i32
        %mul3A_170 = arith.muli %scan3A_159, %mul3A_169 : i32
        %get3A_171 = arith.index_cast %mul3A_170 : i32 to index
        %get3A_172 = tpu.vector_load %arg15[%get3A_171] {strides = array<i32>} : memref<4000xf32, #tpu.memory_space<vmem>>, vector<16xf32>,
        %mul3A_173 = arith.mulf %max3A_168, %get3A_172 : vector<16xf32>
        %add3A_174 = arith.addf %scan3A_160, %mul3A_173 : vector<16xf32>
        %scan3A_175 = arith.constant 1 : i32
        %scan3A_176 = arith.addi %scan3A_159, %scan3A_175 : i32
        %mul3A_177 = arith.constant 16 : i32
        %mul3A_178 = arith.muli %scan3A_176, %mul3A_177 : i32
        %add3A_179 = arith.addi %mul3A_61, %mul3A_178 : i32
        %get3A_180 = arith.index_cast %add3A_179 : i32 to index
        %get3A_181 = tpu.vector_load %arg10[%get3A_180] {strides = array<i32>} : memref<40000xf32, #tpu.memory_space<vmem>>, vector<16xf32>,
        %max3A_182 = arith.constant 0.000000e+00 : f32
        %max3A_183 = vector.broadcast %max3A_182 : f32 to vector<16xf32>
        %max3A_184 = arith.maximumf %get3A_181, %max3A_183 : vector<16xf32>
        %mul3A_185 = arith.constant 16 : i32
        %mul3A_186 = arith.muli %scan3A_176, %mul3A_185 : i32
        %get3A_187 = arith.index_cast %mul3A_186 : i32 to index
        %get3A_188 = tpu.vector_load %arg15[%get3A_187] {strides = array<i32>} : memref<4000xf32, #tpu.memory_space<vmem>>, vector<16xf32>,
        %mul3A_189 = arith.mulf %max3A_184, %get3A_188 : vector<16xf32>
        %add3A_190 = arith.addf %add3A_174, %mul3A_189 : vector<16xf32>
        %scan3A_191 = arith.constant 2 : i32
        %scan3A_192 = arith.addi %scan3A_159, %scan3A_191 : i32
        %mul3A_193 = arith.constant 16 : i32
        %mul3A_194 = arith.muli %scan3A_192, %mul3A_193 : i32
        %add3A_195 = arith.addi %mul3A_61, %mul3A_194 : i32
        %get3A_196 = arith.index_cast %add3A_195 : i32 to index
        %get3A_197 = tpu.vector_load %arg10[%get3A_196] {strides = array<i32>} : memref<40000xf32, #tpu.memory_space<vmem>>, vector<16xf32>,
        %max3A_198 = arith.constant 0.000000e+00 : f32
        %max3A_199 = vector.broadcast %max3A_198 : f32 to vector<16xf32>
        %max3A_200 = arith.maximumf %get3A_197, %max3A_199 : vector<16xf32>
        %mul3A_201 = arith.constant 16 : i32
        %mul3A_202 = arith.muli %scan3A_192, %mul3A_201 : i32
        %get3A_203 = arith.index_cast %mul3A_202 : i32 to index
        %get3A_204 = tpu.vector_load %arg15[%get3A_203] {strides = array<i32>} : memref<4000xf32, #tpu.memory_space<vmem>>, vector<16xf32>,
        %mul3A_205 = arith.mulf %max3A_200, %get3A_204 : vector<16xf32>
        %add3A_206 = arith.addf %add3A_190, %mul3A_205 : vector<16xf32>
        %scan3A_207 = arith.constant 3 : i32
        %scan3A_208 = arith.addi %scan3A_159, %scan3A_207 : i32
        %mul3A_209 = arith.constant 16 : i32
        %mul3A_210 = arith.muli %scan3A_208, %mul3A_209 : i32
        %add3A_211 = arith.addi %mul3A_61, %mul3A_210 : i32
        %get3A_212 = arith.index_cast %add3A_211 : i32 to index
        %get3A_213 = tpu.vector_load %arg10[%get3A_212] {strides = array<i32>} : memref<40000xf32, #tpu.memory_space<vmem>>, vector<16xf32>,
        %max3A_214 = arith.constant 0.000000e+00 : f32
        %max3A_215 = vector.broadcast %max3A_214 : f32 to vector<16xf32>
        %max3A_216 = arith.maximumf %get3A_213, %max3A_215 : vector<16xf32>
        %mul3A_217 = arith.constant 16 : i32
        %mul3A_218 = arith.muli %scan3A_208, %mul3A_217 : i32
        %get3A_219 = arith.index_cast %mul3A_218 : i32 to index
        %get3A_220 = tpu.vector_load %arg15[%get3A_219] {strides = array<i32>} : memref<4000xf32, #tpu.memory_space<vmem>>, vector<16xf32>,
        %mul3A_221 = arith.mulf %max3A_216, %get3A_220 : vector<16xf32>
        %add3A_222 = arith.addf %add3A_206, %mul3A_221 : vector<16xf32>
        scf.yield %add3A_222 : vector<16xf32>
      }
      %scan3A_70 = arith.constant 248 : i32
      %scan3A_71 = arith.addi %scan3A_65, %scan3A_70 : i32
      %mul3A_72 = arith.constant 16 : i32
      %mul3A_73 = arith.muli %scan3A_71, %mul3A_72 : i32
      %add3A_74 = arith.addi %mul3A_61, %mul3A_73 : i32
      %get3A = arith.index_cast %add3A_74 : i32 to index
      %get3A_75 = tpu.vector_load %arg10[%get3A] {strides = array<i32>} : memref<40000xf32, #tpu.memory_space<vmem>>, vector<16xf32>,
      %max3A = arith.constant 0.000000e+00 : f32
      %max3A_76 = vector.broadcast %max3A : f32 to vector<16xf32>
      %max3A_77 = arith.maximumf %get3A_75, %max3A_76 : vector<16xf32>
      %mul3A_78 = arith.constant 16 : i32
      %mul3A_79 = arith.muli %scan3A_71, %mul3A_78 : i32
      %get3A_80 = arith.index_cast %mul3A_79 : i32 to index
      %get3A_81 = tpu.vector_load %arg15[%get3A_80] {strides = array<i32>} : memref<4000xf32, #tpu.memory_space<vmem>>, vector<16xf32>,
      %mul3A_82 = arith.mulf %max3A_77, %get3A_81 : vector<16xf32>
      %add3A_83 = arith.addf %scan3A_69, %mul3A_82 : vector<16xf32>
      %scan3A_84 = arith.constant 249 : i32
      %scan3A_85 = arith.addi %scan3A_65, %scan3A_84 : i32
      %mul3A_86 = arith.constant 16 : i32
      %mul3A_87 = arith.muli %scan3A_85, %mul3A_86 : i32
      %add3A_88 = arith.addi %mul3A_61, %mul3A_87 : i32
      %get3A_89 = arith.index_cast %add3A_88 : i32 to index
      %get3A_90 = tpu.vector_load %arg10[%get3A_89] {strides = array<i32>} : memref<40000xf32, #tpu.memory_space<vmem>>, vector<16xf32>,
      %max3A_91 = arith.constant 0.000000e+00 : f32
      %max3A_92 = vector.broadcast %max3A_91 : f32 to vector<16xf32>
      %max3A_93 = arith.maximumf %get3A_90, %max3A_92 : vector<16xf32>
      %mul3A_94 = arith.constant 16 : i32
      %mul3A_95 = arith.muli %scan3A_85, %mul3A_94 : i32
      %get3A_96 = arith.index_cast %mul3A_95 : i32 to index
      %get3A_97 = tpu.vector_load %arg15[%get3A_96] {strides = array<i32>} : memref<4000xf32, #tpu.memory_space<vmem>>, vector<16xf32>,
      %mul3A_98 = arith.mulf %max3A_93, %get3A_97 : vector<16xf32>
      %add3A_99 = arith.addf %add3A_83, %mul3A_98 : vector<16xf32>
      %scan3A_100 = arith.constant 250 : i32
      %add3A_101 = arith.constant 2 : i32
      %add3A_102 = arith.addi %add3A_59, %add3A_101 : i32
      %lt3A = arith.constant 10 : i32
      %lt3A_103 = arith.cmpi slt, %add3A_102, %lt3A : i32
      %convert_element_type3A = arith.extui %lt3A_103 : i1 to i32
      %cond3A = arith.constant 0 : i32
      %cond3A_104 = arith.cmpi ne, %convert_element_type3A, %cond3A : i32
      scf.if %cond3A_104 {
        %add3A_159 = arith.addi %mul3A_2, %mul3A_61 : i32
        %add3A_160 = arith.constant 8000 : i32
        %add3A_161 = arith.addi %add3A_159, %add3A_160 : i32
        %dma_start3A_162 = tpu.memref_slice %arg7[%add3A_161] : memref<1280000xf32, #tpu.memory_space<hbm>> -> memref<4000xf32, #tpu.memory_space<hbm>>
        %dma_start3A_163 = tpu.memref_slice %arg7[%add3A_161] : memref<1280000xf32, #tpu.memory_space<hbm>> -> memref<4000xf32, #tpu.memory_space<hbm>>
        tpu.enqueue_dma source(%dma_start3A_163 : memref<4000xf32, #tpu.memory_space<hbm>>) target(%arg15 : memref<4000xf32, #tpu.memory_space<vmem>>) target_semaphore(%arg17 : memref<!tpu.dma_semaphore, #tpu.memory_space<semaphore_mem>>)
      } else {
      }
      %mul3A_105 = arith.constant 2 : i32
      %mul3A_106 = arith.muli %scan3A_54, %mul3A_105 : i32
      %add3A_107 = arith.constant 1 : i32
      %add3A_108 = arith.addi %mul3A_106, %add3A_107 : i32
      %mul3A_109 = arith.constant 4000 : i32
      %mul3A_110 = arith.muli %add3A_108, %mul3A_109 : i32
      %add3A_111 = arith.addi %mul3A_2, %mul3A_110 : i32
      %dma_wait3A_112 = tpu.memref_slice %arg7[%add3A_111] : memref<1280000xf32, #tpu.memory_space<hbm>> -> memref<4000xf32, #tpu.memory_space<hbm>>
      %dma_wait3A_113 = tpu.memref_slice %arg7[%add3A_111] : memref<1280000xf32, #tpu.memory_space<hbm>> -> memref<4000xf32, #tpu.memory_space<hbm>>
      tpu.wait_dma2 semaphore(%arg18 : memref<!tpu.dma_semaphore, #tpu.memory_space<semaphore_mem>>) src(%dma_wait3A_113 : memref<4000xf32, #tpu.memory_space<hbm>>) dst(%arg16 : memref<4000xf32, #tpu.memory_space<vmem>>)
      %scan3A_114 = arith.constant 0 : i32
      %scan3A_115 = arith.constant 248 : i32
      %scan3A_116 = arith.addi %scan3A_114, %scan3A_115 : i32
      %scan3A_117 = arith.constant 4 : i32
      %scan3A_118 = scf.for %scan3A_159 = %scan3A_114 to %scan3A_116 step %scan3A_117 iter_args(%scan3A_160 = %add3A_99) -> (vector<16xf32>)  : i32 {
        %mul3A_161 = arith.constant 16 : i32
        %mul3A_162 = arith.muli %scan3A_159, %mul3A_161 : i32
        %add3A_163 = arith.addi %mul3A_110, %mul3A_162 : i32
        %get3A_164 = arith.index_cast %add3A_163 : i32 to index
        %get3A_165 = tpu.vector_load %arg10[%get3A_164] {strides = array<i32>} : memref<40000xf32, #tpu.memory_space<vmem>>, vector<16xf32>,
        %max3A_166 = arith.constant 0.000000e+00 : f32
        %max3A_167 = vector.broadcast %max3A_166 : f32 to vector<16xf32>
        %max3A_168 = arith.maximumf %get3A_165, %max3A_167 : vector<16xf32>
        %mul3A_169 = arith.constant 16 : i32
        %mul3A_170 = arith.muli %scan3A_159, %mul3A_169 : i32
        %get3A_171 = arith.index_cast %mul3A_170 : i32 to index
        %get3A_172 = tpu.vector_load %arg16[%get3A_171] {strides = array<i32>} : memref<4000xf32, #tpu.memory_space<vmem>>, vector<16xf32>,
        %mul3A_173 = arith.mulf %max3A_168, %get3A_172 : vector<16xf32>
        %add3A_174 = arith.addf %scan3A_160, %mul3A_173 : vector<16xf32>
        %scan3A_175 = arith.constant 1 : i32
        %scan3A_176 = arith.addi %scan3A_159, %scan3A_175 : i32
        %mul3A_177 = arith.constant 16 : i32
        %mul3A_178 = arith.muli %scan3A_176, %mul3A_177 : i32
        %add3A_179 = arith.addi %mul3A_110, %mul3A_178 : i32
        %get3A_180 = arith.index_cast %add3A_179 : i32 to index
        %get3A_181 = tpu.vector_load %arg10[%get3A_180] {strides = array<i32>} : memref<40000xf32, #tpu.memory_space<vmem>>, vector<16xf32>,
        %max3A_182 = arith.constant 0.000000e+00 : f32
        %max3A_183 = vector.broadcast %max3A_182 : f32 to vector<16xf32>
        %max3A_184 = arith.maximumf %get3A_181, %max3A_183 : vector<16xf32>
        %mul3A_185 = arith.constant 16 : i32
        %mul3A_186 = arith.muli %scan3A_176, %mul3A_185 : i32
        %get3A_187 = arith.index_cast %mul3A_186 : i32 to index
        %get3A_188 = tpu.vector_load %arg16[%get3A_187] {strides = array<i32>} : memref<4000xf32, #tpu.memory_space<vmem>>, vector<16xf32>,
        %mul3A_189 = arith.mulf %max3A_184, %get3A_188 : vector<16xf32>
        %add3A_190 = arith.addf %add3A_174, %mul3A_189 : vector<16xf32>
        %scan3A_191 = arith.constant 2 : i32
        %scan3A_192 = arith.addi %scan3A_159, %scan3A_191 : i32
        %mul3A_193 = arith.constant 16 : i32
        %mul3A_194 = arith.muli %scan3A_192, %mul3A_193 : i32
        %add3A_195 = arith.addi %mul3A_110, %mul3A_194 : i32
        %get3A_196 = arith.index_cast %add3A_195 : i32 to index
        %get3A_197 = tpu.vector_load %arg10[%get3A_196] {strides = array<i32>} : memref<40000xf32, #tpu.memory_space<vmem>>, vector<16xf32>,
        %max3A_198 = arith.constant 0.000000e+00 : f32
        %max3A_199 = vector.broadcast %max3A_198 : f32 to vector<16xf32>
        %max3A_200 = arith.maximumf %get3A_197, %max3A_199 : vector<16xf32>
        %mul3A_201 = arith.constant 16 : i32
        %mul3A_202 = arith.muli %scan3A_192, %mul3A_201 : i32
        %get3A_203 = arith.index_cast %mul3A_202 : i32 to index
        %get3A_204 = tpu.vector_load %arg16[%get3A_203] {strides = array<i32>} : memref<4000xf32, #tpu.memory_space<vmem>>, vector<16xf32>,
        %mul3A_205 = arith.mulf %max3A_200, %get3A_204 : vector<16xf32>
        %add3A_206 = arith.addf %add3A_190, %mul3A_205 : vector<16xf32>
        %scan3A_207 = arith.constant 3 : i32
        %scan3A_208 = arith.addi %scan3A_159, %scan3A_207 : i32
        %mul3A_209 = arith.constant 16 : i32
        %mul3A_210 = arith.muli %scan3A_208, %mul3A_209 : i32
        %add3A_211 = arith.addi %mul3A_110, %mul3A_210 : i32
        %get3A_212 = arith.index_cast %add3A_211 : i32 to index
        %get3A_213 = tpu.vector_load %arg10[%get3A_212] {strides = array<i32>} : memref<40000xf32, #tpu.memory_space<vmem>>, vector<16xf32>,
        %max3A_214 = arith.constant 0.000000e+00 : f32
        %max3A_215 = vector.broadcast %max3A_214 : f32 to vector<16xf32>
        %max3A_216 = arith.maximumf %get3A_213, %max3A_215 : vector<16xf32>
        %mul3A_217 = arith.constant 16 : i32
        %mul3A_218 = arith.muli %scan3A_208, %mul3A_217 : i32
        %get3A_219 = arith.index_cast %mul3A_218 : i32 to index
        %get3A_220 = tpu.vector_load %arg16[%get3A_219] {strides = array<i32>} : memref<4000xf32, #tpu.memory_space<vmem>>, vector<16xf32>,
        %mul3A_221 = arith.mulf %max3A_216, %get3A_220 : vector<16xf32>
        %add3A_222 = arith.addf %add3A_206, %mul3A_221 : vector<16xf32>
        scf.yield %add3A_222 : vector<16xf32>
      }
      %scan3A_119 = arith.constant 248 : i32
      %scan3A_120 = arith.addi %scan3A_114, %scan3A_119 : i32
      %mul3A_121 = arith.constant 16 : i32
      %mul3A_122 = arith.muli %scan3A_120, %mul3A_121 : i32
      %add3A_123 = arith.addi %mul3A_110, %mul3A_122 : i32
      %get3A_124 = arith.index_cast %add3A_123 : i32 to index
      %get3A_125 = tpu.vector_load %arg10[%get3A_124] {strides = array<i32>} : memref<40000xf32, #tpu.memory_space<vmem>>, vector<16xf32>,
      %max3A_126 = arith.constant 0.000000e+00 : f32
      %max3A_127 = vector.broadcast %max3A_126 : f32 to vector<16xf32>
      %max3A_128 = arith.maximumf %get3A_125, %max3A_127 : vector<16xf32>
      %mul3A_129 = arith.constant 16 : i32
      %mul3A_130 = arith.muli %scan3A_120, %mul3A_129 : i32
      %get3A_131 = arith.index_cast %mul3A_130 : i32 to index
      %get3A_132 = tpu.vector_load %arg16[%get3A_131] {strides = array<i32>} : memref<4000xf32, #tpu.memory_space<vmem>>, vector<16xf32>,
      %mul3A_133 = arith.mulf %max3A_128, %get3A_132 : vector<16xf32>
      %add3A_134 = arith.addf %scan3A_118, %mul3A_133 : vector<16xf32>
      %scan3A_135 = arith.constant 249 : i32
      %scan3A_136 = arith.addi %scan3A_114, %scan3A_135 : i32
      %mul3A_137 = arith.constant 16 : i32
      %mul3A_138 = arith.muli %scan3A_136, %mul3A_137 : i32
      %add3A_139 = arith.addi %mul3A_110, %mul3A_138 : i32
      %get3A_140 = arith.index_cast %add3A_139 : i32 to index
      %get3A_141 = tpu.vector_load %arg10[%get3A_140] {strides = array<i32>} : memref<40000xf32, #tpu.memory_space<vmem>>, vector<16xf32>,
      %max3A_142 = arith.constant 0.000000e+00 : f32
      %max3A_143 = vector.broadcast %max3A_142 : f32 to vector<16xf32>
      %max3A_144 = arith.maximumf %get3A_141, %max3A_143 : vector<16xf32>
      %mul3A_145 = arith.constant 16 : i32
      %mul3A_146 = arith.muli %scan3A_136, %mul3A_145 : i32
      %get3A_147 = arith.index_cast %mul3A_146 : i32 to index
      %get3A_148 = tpu.vector_load %arg16[%get3A_147] {strides = array<i32>} : memref<4000xf32, #tpu.memory_space<vmem>>, vector<16xf32>,
      %mul3A_149 = arith.mulf %max3A_144, %get3A_148 : vector<16xf32>
      %add3A_150 = arith.addf %add3A_134, %mul3A_149 : vector<16xf32>
      %scan3A_151 = arith.constant 250 : i32
      %add3A_152 = arith.constant 2 : i32
      %add3A_153 = arith.addi %add3A_108, %add3A_152 : i32
      %lt3A_154 = arith.constant 10 : i32
      %lt3A_155 = arith.cmpi slt, %add3A_153, %lt3A_154 : i32
      %convert_element_type3A_156 = arith.extui %lt3A_155 : i1 to i32
      %cond3A_157 = arith.constant 0 : i32
      %cond3A_158 = arith.cmpi ne, %convert_element_type3A_156, %cond3A_157 : i32
      scf.if %cond3A_158 {
        %add3A_159 = arith.addi %mul3A_2, %mul3A_110 : i32
        %add3A_160 = arith.constant 8000 : i32
        %add3A_161 = arith.addi %add3A_159, %add3A_160 : i32
        %dma_start3A_162 = tpu.memref_slice %arg7[%add3A_161] : memref<1280000xf32, #tpu.memory_space<hbm>> -> memref<4000xf32, #tpu.memory_space<hbm>>
        %dma_start3A_163 = tpu.memref_slice %arg7[%add3A_161] : memref<1280000xf32, #tpu.memory_space<hbm>> -> memref<4000xf32, #tpu.memory_space<hbm>>
        tpu.enqueue_dma source(%dma_start3A_163 : memref<4000xf32, #tpu.memory_space<hbm>>) target(%arg16 : memref<4000xf32, #tpu.memory_space<vmem>>) target_semaphore(%arg18 : memref<!tpu.dma_semaphore, #tpu.memory_space<semaphore_mem>>)
      } else {
      }
      scf.yield %add3A_150 : vector<16xf32>
    }
    %scan3A_50 = arith.constant 5 : i32
    %swap3A = arith.constant 0 : index
    %swap3A_51 = tpu.vector_load %arg9[%swap3A] {strides = array<i32>} : memref<40000xf32, #tpu.memory_space<vmem>>, vector<16xf32>,
    tpu.vector_store %arg9[%swap3A], %scan3A_49 {strides = array<i32>} : memref<40000xf32, #tpu.memory_space<vmem>>, vector<16xf32>,
    %mul3A_52 = arith.constant 16 : i32
    %mul3A_53 = arith.muli %add3A, %mul3A_52 : i32
    "tpu.region"() ({
      %run_scoped3A = tpu.sem_alloc : memref<!tpu.dma_semaphore, #tpu.memory_space<semaphore_mem>>
      %dma_start3A_54 = arith.constant 0 : i32
      %dma_start3A_55 = tpu.memref_slice %arg9[%dma_start3A_54] : memref<40000xf32, #tpu.memory_space<vmem>> -> memref<16xf32, #tpu.memory_space<vmem>>
      %dma_start3A_56 = tpu.memref_slice %arg8[%mul3A_53] : memref<512xf32, #tpu.memory_space<hbm>> -> memref<16xf32, #tpu.memory_space<hbm>>
      %dma_start3A_57 = tpu.memref_slice %arg8[%mul3A_53] : memref<512xf32, #tpu.memory_space<hbm>> -> memref<16xf32, #tpu.memory_space<hbm>>
      %dma_start3A_58 = arith.constant 0 : i32
      %dma_start3A_59 = tpu.memref_slice %arg9[%dma_start3A_58] : memref<40000xf32, #tpu.memory_space<vmem>> -> memref<16xf32, #tpu.memory_space<vmem>>
      tpu.enqueue_dma source(%dma_start3A_59 : memref<16xf32, #tpu.memory_space<vmem>>) target(%dma_start3A_57 : memref<16xf32, #tpu.memory_space<hbm>>) target_semaphore(%run_scoped3A : memref<!tpu.dma_semaphore, #tpu.memory_space<semaphore_mem>>)
      %dma_wait3A_60 = arith.constant 0 : i32
      %dma_wait3A_61 = tpu.memref_slice %arg9[%dma_wait3A_60] : memref<40000xf32, #tpu.memory_space<vmem>> -> memref<16xf32, #tpu.memory_space<vmem>>
      %dma_wait3A_62 = tpu.memref_slice %arg8[%mul3A_53] : memref<512xf32, #tpu.memory_space<hbm>> -> memref<16xf32, #tpu.memory_space<hbm>>
      %dma_wait3A_63 = tpu.memref_slice %arg8[%mul3A_53] : memref<512xf32, #tpu.memory_space<hbm>> -> memref<16xf32, #tpu.memory_space<hbm>>
      %dma_wait3A_64 = arith.constant 0 : i32
      %dma_wait3A_65 = tpu.memref_slice %arg9[%dma_wait3A_64] : memref<40000xf32, #tpu.memory_space<vmem>> -> memref<16xf32, #tpu.memory_space<vmem>>
      tpu.wait_dma2 semaphore(%run_scoped3A : memref<!tpu.dma_semaphore, #tpu.memory_space<semaphore_mem>>) src(%dma_wait3A_65 : memref<16xf32, #tpu.memory_space<vmem>>) dst(%dma_wait3A_63 : memref<16xf32, #tpu.memory_space<hbm>>)
      tpu.yield
    }) : () -> ()
    return
  }
}

#map = affine_map<(d0, d1) -> (0)>
module attributes {stable_mosaic.version = 14 : i64} {
  func.func @_spmm_body(%arg0: i32, %arg1: i32, %arg2: memref<1280000xf32, #tpu.memory_space<hbm>>, %arg3: memref<1280000xf32, #tpu.memory_space<hbm>>, %arg4: memref<320000xi32, #tpu.memory_space<hbm>>, %arg5: memref<320000xi32, #tpu.memory_space<hbm>>, %arg6: memref<320000xf32, #tpu.memory_space<hbm>>, %arg7: memref<1280000xf32, #tpu.memory_space<hbm>>, %arg8: memref<1280000xf32, #tpu.memory_space<hbm>>, %arg9: memref<40000xf32, #tpu.memory_space<vmem>>, %arg10: memref<40000xf32, #tpu.memory_space<vmem>>, %arg11: memref<4000xi32, #tpu.memory_space<vmem>>, %arg12: memref<4000xi32, #tpu.memory_space<vmem>>, %arg13: memref<4000xi32, #tpu.memory_space<vmem>>, %arg14: memref<4000xi32, #tpu.memory_space<vmem>>, %arg15: memref<4000xf32, #tpu.memory_space<vmem>>, %arg16: memref<4000xf32, #tpu.memory_space<vmem>>, %arg17: memref<!tpu.dma_semaphore, #tpu.memory_space<semaphore_mem>>, %arg18: memref<!tpu.dma_semaphore, #tpu.memory_space<semaphore_mem>>, %arg19: memref<!tpu.dma_semaphore, #tpu.memory_space<semaphore_mem>>, %arg20: memref<!tpu.dma_semaphore, #tpu.memory_space<semaphore_mem>>) attributes {dimension_semantics = [#tpu.dimension_semantics<core_parallel>, #tpu.dimension_semantics<subcore_parallel>], iteration_bounds = array<i64: 2, 16>, scalar_prefetch = 0 : i64, scratch_operands = 12 : i64, tpu.core_type = #tpu.core_type<sc_vector_subcore>, window_params = [{transform_indices = #map}, {transform_indices = #map}, {transform_indices = #map}, {transform_indices = #map}, {transform_indices = #map}, {transform_indices = #map}, {transform_indices = #map}]} {
    %mul3A = arith.constant 2 : i32
    %mul3A_0 = arith.muli %arg1, %mul3A : i32
    %add3A = arith.addi %mul3A_0, %arg0 : i32
    %mul3A_1 = arith.constant 40000 : i32
    %mul3A_2 = arith.muli %add3A, %mul3A_1 : i32
    %dma_start3A = tpu.memref_slice %arg2[%mul3A_2] : memref<1280000xf32, #tpu.memory_space<hbm>> -> memref<40000xf32, #tpu.memory_space<hbm>>
    %dma_start3A_3 = tpu.memref_slice %arg2[%mul3A_2] : memref<1280000xf32, #tpu.memory_space<hbm>> -> memref<40000xf32, #tpu.memory_space<hbm>>
    tpu.enqueue_dma source(%dma_start3A_3 : memref<40000xf32, #tpu.memory_space<hbm>>) target(%arg9 : memref<40000xf32, #tpu.memory_space<vmem>>) target_semaphore(%arg19 : memref<!tpu.dma_semaphore, #tpu.memory_space<semaphore_mem>>)
    %dma_start3A_4 = tpu.memref_slice %arg3[%mul3A_2] : memref<1280000xf32, #tpu.memory_space<hbm>> -> memref<40000xf32, #tpu.memory_space<hbm>>
    %dma_start3A_5 = tpu.memref_slice %arg3[%mul3A_2] : memref<1280000xf32, #tpu.memory_space<hbm>> -> memref<40000xf32, #tpu.memory_space<hbm>>
    tpu.enqueue_dma source(%dma_start3A_5 : memref<40000xf32, #tpu.memory_space<hbm>>) target(%arg10 : memref<40000xf32, #tpu.memory_space<vmem>>) target_semaphore(%arg20 : memref<!tpu.dma_semaphore, #tpu.memory_space<semaphore_mem>>)
    %dma_start3A_6 = arith.constant 0 : i32
    %dma_start3A_7 = tpu.memref_slice %arg4[%dma_start3A_6] : memref<320000xi32, #tpu.memory_space<hbm>> -> memref<4000xi32, #tpu.memory_space<hbm>>
    %dma_start3A_8 = arith.constant 0 : i32
    %dma_start3A_9 = tpu.memref_slice %arg4[%dma_start3A_8] : memref<320000xi32, #tpu.memory_space<hbm>> -> memref<4000xi32, #tpu.memory_space<hbm>>
    tpu.enqueue_dma source(%dma_start3A_9 : memref<4000xi32, #tpu.memory_space<hbm>>) target(%arg11 : memref<4000xi32, #tpu.memory_space<vmem>>) target_semaphore(%arg17 : memref<!tpu.dma_semaphore, #tpu.memory_space<semaphore_mem>>)
    %dma_start3A_10 = arith.constant 0 : i32
    %dma_start3A_11 = tpu.memref_slice %arg5[%dma_start3A_10] : memref<320000xi32, #tpu.memory_space<hbm>> -> memref<4000xi32, #tpu.memory_space<hbm>>
    %dma_start3A_12 = arith.constant 0 : i32
    %dma_start3A_13 = tpu.memref_slice %arg5[%dma_start3A_12] : memref<320000xi32, #tpu.memory_space<hbm>> -> memref<4000xi32, #tpu.memory_space<hbm>>
    tpu.enqueue_dma source(%dma_start3A_13 : memref<4000xi32, #tpu.memory_space<hbm>>) target(%arg13 : memref<4000xi32, #tpu.memory_space<vmem>>) target_semaphore(%arg17 : memref<!tpu.dma_semaphore, #tpu.memory_space<semaphore_mem>>)
    %dma_start3A_14 = arith.constant 0 : i32
    %dma_start3A_15 = tpu.memref_slice %arg6[%dma_start3A_14] : memref<320000xf32, #tpu.memory_space<hbm>> -> memref<4000xf32, #tpu.memory_space<hbm>>
    %dma_start3A_16 = arith.constant 0 : i32
    %dma_start3A_17 = tpu.memref_slice %arg6[%dma_start3A_16] : memref<320000xf32, #tpu.memory_space<hbm>> -> memref<4000xf32, #tpu.memory_space<hbm>>
    tpu.enqueue_dma source(%dma_start3A_17 : memref<4000xf32, #tpu.memory_space<hbm>>) target(%arg15 : memref<4000xf32, #tpu.memory_space<vmem>>) target_semaphore(%arg17 : memref<!tpu.dma_semaphore, #tpu.memory_space<semaphore_mem>>)
    %dma_start3A_18 = arith.constant 4000 : i32
    %dma_start3A_19 = tpu.memref_slice %arg4[%dma_start3A_18] : memref<320000xi32, #tpu.memory_space<hbm>> -> memref<4000xi32, #tpu.memory_space<hbm>>
    %dma_start3A_20 = arith.constant 4000 : i32
    %dma_start3A_21 = tpu.memref_slice %arg4[%dma_start3A_20] : memref<320000xi32, #tpu.memory_space<hbm>> -> memref<4000xi32, #tpu.memory_space<hbm>>
    tpu.enqueue_dma source(%dma_start3A_21 : memref<4000xi32, #tpu.memory_space<hbm>>) target(%arg12 : memref<4000xi32, #tpu.memory_space<vmem>>) target_semaphore(%arg18 : memref<!tpu.dma_semaphore, #tpu.memory_space<semaphore_mem>>)
    %dma_start3A_22 = arith.constant 4000 : i32
    %dma_start3A_23 = tpu.memref_slice %arg5[%dma_start3A_22] : memref<320000xi32, #tpu.memory_space<hbm>> -> memref<4000xi32, #tpu.memory_space<hbm>>
    %dma_start3A_24 = arith.constant 4000 : i32
    %dma_start3A_25 = tpu.memref_slice %arg5[%dma_start3A_24] : memref<320000xi32, #tpu.memory_space<hbm>> -> memref<4000xi32, #tpu.memory_space<hbm>>
    tpu.enqueue_dma source(%dma_start3A_25 : memref<4000xi32, #tpu.memory_space<hbm>>) target(%arg14 : memref<4000xi32, #tpu.memory_space<vmem>>) target_semaphore(%arg18 : memref<!tpu.dma_semaphore, #tpu.memory_space<semaphore_mem>>)
    %dma_start3A_26 = arith.constant 4000 : i32
    %dma_start3A_27 = tpu.memref_slice %arg6[%dma_start3A_26] : memref<320000xf32, #tpu.memory_space<hbm>> -> memref<4000xf32, #tpu.memory_space<hbm>>
    %dma_start3A_28 = arith.constant 4000 : i32
    %dma_start3A_29 = tpu.memref_slice %arg6[%dma_start3A_28] : memref<320000xf32, #tpu.memory_space<hbm>> -> memref<4000xf32, #tpu.memory_space<hbm>>
    tpu.enqueue_dma source(%dma_start3A_29 : memref<4000xf32, #tpu.memory_space<hbm>>) target(%arg16 : memref<4000xf32, #tpu.memory_space<vmem>>) target_semaphore(%arg18 : memref<!tpu.dma_semaphore, #tpu.memory_space<semaphore_mem>>)
    %dma_wait3A = tpu.memref_slice %arg2[%mul3A_2] : memref<1280000xf32, #tpu.memory_space<hbm>> -> memref<40000xf32, #tpu.memory_space<hbm>>
    %dma_wait3A_30 = tpu.memref_slice %arg2[%mul3A_2] : memref<1280000xf32, #tpu.memory_space<hbm>> -> memref<40000xf32, #tpu.memory_space<hbm>>
    tpu.wait_dma2 semaphore(%arg19 : memref<!tpu.dma_semaphore, #tpu.memory_space<semaphore_mem>>) src(%dma_wait3A_30 : memref<40000xf32, #tpu.memory_space<hbm>>) dst(%arg9 : memref<40000xf32, #tpu.memory_space<vmem>>)
    %dma_wait3A_31 = tpu.memref_slice %arg3[%mul3A_2] : memref<1280000xf32, #tpu.memory_space<hbm>> -> memref<40000xf32, #tpu.memory_space<hbm>>
    %dma_wait3A_32 = tpu.memref_slice %arg3[%mul3A_2] : memref<1280000xf32, #tpu.memory_space<hbm>> -> memref<40000xf32, #tpu.memory_space<hbm>>
    tpu.wait_dma2 semaphore(%arg20 : memref<!tpu.dma_semaphore, #tpu.memory_space<semaphore_mem>>) src(%dma_wait3A_32 : memref<40000xf32, #tpu.memory_space<hbm>>) dst(%arg10 : memref<40000xf32, #tpu.memory_space<vmem>>)
    %scan3A = arith.constant 0 : i32
    %scan3A_33 = arith.constant 0 : i32
    %scan3A_34 = arith.constant 40 : i32
    %scan3A_35 = arith.addi %scan3A_33, %scan3A_34 : i32
    %scan3A_36 = arith.constant 1 : i32
    scf.for %scan3A_40 = %scan3A_33 to %scan3A_35 step %scan3A_36  : i32 {
      %mul3A_41 = arith.constant 2 : i32
      %mul3A_42 = arith.muli %scan3A_40, %mul3A_41 : i32
      %add3A_43 = arith.constant 0 : i32
      %add3A_44 = arith.addi %mul3A_42, %add3A_43 : i32
      %mul3A_45 = arith.constant 4000 : i32
      %mul3A_46 = arith.muli %add3A_44, %mul3A_45 : i32
      %dma_wait3A_47 = tpu.memref_slice %arg4[%mul3A_46] : memref<320000xi32, #tpu.memory_space<hbm>> -> memref<4000xi32, #tpu.memory_space<hbm>>
      %dma_wait3A_48 = tpu.memref_slice %arg4[%mul3A_46] : memref<320000xi32, #tpu.memory_space<hbm>> -> memref<4000xi32, #tpu.memory_space<hbm>>
      tpu.wait_dma2 semaphore(%arg17 : memref<!tpu.dma_semaphore, #tpu.memory_space<semaphore_mem>>) src(%dma_wait3A_48 : memref<4000xi32, #tpu.memory_space<hbm>>) dst(%arg11 : memref<4000xi32, #tpu.memory_space<vmem>>)
      %dma_wait3A_49 = tpu.memref_slice %arg5[%mul3A_46] : memref<320000xi32, #tpu.memory_space<hbm>> -> memref<4000xi32, #tpu.memory_space<hbm>>
      %dma_wait3A_50 = tpu.memref_slice %arg5[%mul3A_46] : memref<320000xi32, #tpu.memory_space<hbm>> -> memref<4000xi32, #tpu.memory_space<hbm>>
      tpu.wait_dma2 semaphore(%arg17 : memref<!tpu.dma_semaphore, #tpu.memory_space<semaphore_mem>>) src(%dma_wait3A_50 : memref<4000xi32, #tpu.memory_space<hbm>>) dst(%arg13 : memref<4000xi32, #tpu.memory_space<vmem>>)
      %dma_wait3A_51 = tpu.memref_slice %arg6[%mul3A_46] : memref<320000xf32, #tpu.memory_space<hbm>> -> memref<4000xf32, #tpu.memory_space<hbm>>
      %dma_wait3A_52 = tpu.memref_slice %arg6[%mul3A_46] : memref<320000xf32, #tpu.memory_space<hbm>> -> memref<4000xf32, #tpu.memory_space<hbm>>
      tpu.wait_dma2 semaphore(%arg17 : memref<!tpu.dma_semaphore, #tpu.memory_space<semaphore_mem>>) src(%dma_wait3A_52 : memref<4000xf32, #tpu.memory_space<hbm>>) dst(%arg15 : memref<4000xf32, #tpu.memory_space<vmem>>)
      %parallel_loop3A_53 = arith.constant 0 : i32
      %parallel_loop3A_54 = arith.constant 250 : i32
      %parallel_loop3A_55 = arith.constant 1 : i32
      scf.for %parallel_loop3A_80 = %parallel_loop3A_53 to %parallel_loop3A_54 step %parallel_loop3A_55  : i32 {
        %parallel_loop3A_81 = arith.constant 16 : i32
        %parallel_loop3A_82 = arith.muli %parallel_loop3A_80, %parallel_loop3A_81 : i32
        %parallel_loop3A_83 = arith.index_cast %parallel_loop3A_82 : i32 to index
        %parallel_loop3A_84 = tpu.vector_load %arg11[%parallel_loop3A_83] {strides = array<i32>} : memref<4000xi32, #tpu.memory_space<vmem>>, vector<16xi32>,
        %parallel_loop3A_85 = arith.constant 16 : i32
        %parallel_loop3A_86 = arith.muli %parallel_loop3A_80, %parallel_loop3A_85 : i32
        %parallel_loop3A_87 = arith.index_cast %parallel_loop3A_86 : i32 to index
        %parallel_loop3A_88 = tpu.vector_load %arg13[%parallel_loop3A_87] {strides = array<i32>} : memref<4000xi32, #tpu.memory_space<vmem>>, vector<16xi32>,
        %parallel_loop3A_89 = arith.constant 16 : i32
        %parallel_loop3A_90 = arith.muli %parallel_loop3A_80, %parallel_loop3A_89 : i32
        %parallel_loop3A_91 = arith.index_cast %parallel_loop3A_90 : i32 to index
        %parallel_loop3A_92 = tpu.vector_load %arg15[%parallel_loop3A_91] {strides = array<i32>} : memref<4000xf32, #tpu.memory_space<vmem>>, vector<16xf32>,
        %parallel_loop3A_93 = arith.constant 0 : i32
        %parallel_loop3A_94 = vector.broadcast %parallel_loop3A_93 : i32 to vector<16xi32>
        %parallel_loop3A_95 = arith.addi %parallel_loop3A_84, %parallel_loop3A_94 : vector<16xi32>
        %parallel_loop3A_96 = tpu.vector_load_idx %arg9[%parallel_loop3A_95] : memref<40000xf32, #tpu.memory_space<vmem>>[vector<16xi32>], vector<16xf32>,
        %parallel_loop3A_97 = arith.constant 0 : i32
        %parallel_loop3A_98 = vector.broadcast %parallel_loop3A_97 : i32 to vector<16xi32>
        %parallel_loop3A_99 = arith.addi %parallel_loop3A_88, %parallel_loop3A_98 : vector<16xi32>
        %parallel_loop3A_100 = arith.mulf %parallel_loop3A_96, %parallel_loop3A_92 : vector<16xf32>
        tpu.vector_store_idx %arg10[%parallel_loop3A_99], %parallel_loop3A_100 {add = true} : memref<40000xf32, #tpu.memory_space<vmem>>[vector<16xi32>], vector<16xf32>,
        %parallel_loop3A_101 = arith.constant 10000 : i32
        %parallel_loop3A_102 = vector.broadcast %parallel_loop3A_101 : i32 to vector<16xi32>
        %parallel_loop3A_103 = arith.addi %parallel_loop3A_84, %parallel_loop3A_102 : vector<16xi32>
        %parallel_loop3A_104 = tpu.vector_load_idx %arg9[%parallel_loop3A_103] : memref<40000xf32, #tpu.memory_space<vmem>>[vector<16xi32>], vector<16xf32>,
        %parallel_loop3A_105 = arith.constant 10000 : i32
        %parallel_loop3A_106 = vector.broadcast %parallel_loop3A_105 : i32 to vector<16xi32>
        %parallel_loop3A_107 = arith.addi %parallel_loop3A_88, %parallel_loop3A_106 : vector<16xi32>
        %parallel_loop3A_108 = arith.mulf %parallel_loop3A_104, %parallel_loop3A_92 : vector<16xf32>
        tpu.vector_store_idx %arg10[%parallel_loop3A_107], %parallel_loop3A_108 {add = true} : memref<40000xf32, #tpu.memory_space<vmem>>[vector<16xi32>], vector<16xf32>,
        %parallel_loop3A_109 = arith.constant 20000 : i32
        %parallel_loop3A_110 = vector.broadcast %parallel_loop3A_109 : i32 to vector<16xi32>
        %parallel_loop3A_111 = arith.addi %parallel_loop3A_84, %parallel_loop3A_110 : vector<16xi32>
        %parallel_loop3A_112 = tpu.vector_load_idx %arg9[%parallel_loop3A_111] : memref<40000xf32, #tpu.memory_space<vmem>>[vector<16xi32>], vector<16xf32>,
        %parallel_loop3A_113 = arith.constant 20000 : i32
        %parallel_loop3A_114 = vector.broadcast %parallel_loop3A_113 : i32 to vector<16xi32>
        %parallel_loop3A_115 = arith.addi %parallel_loop3A_88, %parallel_loop3A_114 : vector<16xi32>
        %parallel_loop3A_116 = arith.mulf %parallel_loop3A_112, %parallel_loop3A_92 : vector<16xf32>
        tpu.vector_store_idx %arg10[%parallel_loop3A_115], %parallel_loop3A_116 {add = true} : memref<40000xf32, #tpu.memory_space<vmem>>[vector<16xi32>], vector<16xf32>,
        %parallel_loop3A_117 = arith.constant 30000 : i32
        %parallel_loop3A_118 = vector.broadcast %parallel_loop3A_117 : i32 to vector<16xi32>
        %parallel_loop3A_119 = arith.addi %parallel_loop3A_84, %parallel_loop3A_118 : vector<16xi32>
        %parallel_loop3A_120 = tpu.vector_load_idx %arg9[%parallel_loop3A_119] : memref<40000xf32, #tpu.memory_space<vmem>>[vector<16xi32>], vector<16xf32>,
        %parallel_loop3A_121 = arith.constant 30000 : i32
        %parallel_loop3A_122 = vector.broadcast %parallel_loop3A_121 : i32 to vector<16xi32>
        %parallel_loop3A_123 = arith.addi %parallel_loop3A_88, %parallel_loop3A_122 : vector<16xi32>
        %parallel_loop3A_124 = arith.mulf %parallel_loop3A_120, %parallel_loop3A_92 : vector<16xf32>
        tpu.vector_store_idx %arg10[%parallel_loop3A_123], %parallel_loop3A_124 {add = true} : memref<40000xf32, #tpu.memory_space<vmem>>[vector<16xi32>], vector<16xf32>,
      } {sc.loop_unroll_factor = 5 : i64, sc.parallel_access}
      %add3A_56 = arith.constant 2 : i32
      %add3A_57 = arith.addi %add3A_44, %add3A_56 : i32
      %lt3A = arith.constant 80 : i32
      %lt3A_58 = arith.cmpi slt, %add3A_57, %lt3A : i32
      %convert_element_type3A = arith.extui %lt3A_58 : i1 to i32
      %cond3A = arith.constant 0 : i32
      %cond3A_59 = arith.cmpi ne, %convert_element_type3A, %cond3A : i32
      scf.if %cond3A_59 {
        %add3A_80 = arith.constant 2 : i32
        %add3A_81 = arith.addi %add3A_44, %add3A_80 : i32
        %mul3A_82 = arith.constant 4000 : i32
        %mul3A_83 = arith.muli %add3A_81, %mul3A_82 : i32
        %dma_start3A_84 = tpu.memref_slice %arg4[%mul3A_83] : memref<320000xi32, #tpu.memory_space<hbm>> -> memref<4000xi32, #tpu.memory_space<hbm>>
        %dma_start3A_85 = tpu.memref_slice %arg4[%mul3A_83] : memref<320000xi32, #tpu.memory_space<hbm>> -> memref<4000xi32, #tpu.memory_space<hbm>>
        tpu.enqueue_dma source(%dma_start3A_85 : memref<4000xi32, #tpu.memory_space<hbm>>) target(%arg11 : memref<4000xi32, #tpu.memory_space<vmem>>) target_semaphore(%arg17 : memref<!tpu.dma_semaphore, #tpu.memory_space<semaphore_mem>>)
        %dma_start3A_86 = tpu.memref_slice %arg5[%mul3A_83] : memref<320000xi32, #tpu.memory_space<hbm>> -> memref<4000xi32, #tpu.memory_space<hbm>>
        %dma_start3A_87 = tpu.memref_slice %arg5[%mul3A_83] : memref<320000xi32, #tpu.memory_space<hbm>> -> memref<4000xi32, #tpu.memory_space<hbm>>
        tpu.enqueue_dma source(%dma_start3A_87 : memref<4000xi32, #tpu.memory_space<hbm>>) target(%arg13 : memref<4000xi32, #tpu.memory_space<vmem>>) target_semaphore(%arg17 : memref<!tpu.dma_semaphore, #tpu.memory_space<semaphore_mem>>)
        %dma_start3A_88 = tpu.memref_slice %arg6[%mul3A_83] : memref<320000xf32, #tpu.memory_space<hbm>> -> memref<4000xf32, #tpu.memory_space<hbm>>
        %dma_start3A_89 = tpu.memref_slice %arg6[%mul3A_83] : memref<320000xf32, #tpu.memory_space<hbm>> -> memref<4000xf32, #tpu.memory_space<hbm>>
        tpu.enqueue_dma source(%dma_start3A_89 : memref<4000xf32, #tpu.memory_space<hbm>>) target(%arg15 : memref<4000xf32, #tpu.memory_space<vmem>>) target_semaphore(%arg17 : memref<!tpu.dma_semaphore, #tpu.memory_space<semaphore_mem>>)
      } else {
      }
      %add3A_60 = arith.constant 1 : i32
      %add3A_61 = arith.addi %mul3A_42, %add3A_60 : i32
      %mul3A_62 = arith.constant 4000 : i32
      %mul3A_63 = arith.muli %add3A_61, %mul3A_62 : i32
      %dma_wait3A_64 = tpu.memref_slice %arg4[%mul3A_63] : memref<320000xi32, #tpu.memory_space<hbm>> -> memref<4000xi32, #tpu.memory_space<hbm>>
      %dma_wait3A_65 = tpu.memref_slice %arg4[%mul3A_63] : memref<320000xi32, #tpu.memory_space<hbm>> -> memref<4000xi32, #tpu.memory_space<hbm>>
      tpu.wait_dma2 semaphore(%arg18 : memref<!tpu.dma_semaphore, #tpu.memory_space<semaphore_mem>>) src(%dma_wait3A_65 : memref<4000xi32, #tpu.memory_space<hbm>>) dst(%arg12 : memref<4000xi32, #tpu.memory_space<vmem>>)
      %dma_wait3A_66 = tpu.memref_slice %arg5[%mul3A_63] : memref<320000xi32, #tpu.memory_space<hbm>> -> memref<4000xi32, #tpu.memory_space<hbm>>
      %dma_wait3A_67 = tpu.memref_slice %arg5[%mul3A_63] : memref<320000xi32, #tpu.memory_space<hbm>> -> memref<4000xi32, #tpu.memory_space<hbm>>
      tpu.wait_dma2 semaphore(%arg18 : memref<!tpu.dma_semaphore, #tpu.memory_space<semaphore_mem>>) src(%dma_wait3A_67 : memref<4000xi32, #tpu.memory_space<hbm>>) dst(%arg14 : memref<4000xi32, #tpu.memory_space<vmem>>)
      %dma_wait3A_68 = tpu.memref_slice %arg6[%mul3A_63] : memref<320000xf32, #tpu.memory_space<hbm>> -> memref<4000xf32, #tpu.memory_space<hbm>>
      %dma_wait3A_69 = tpu.memref_slice %arg6[%mul3A_63] : memref<320000xf32, #tpu.memory_space<hbm>> -> memref<4000xf32, #tpu.memory_space<hbm>>
      tpu.wait_dma2 semaphore(%arg18 : memref<!tpu.dma_semaphore, #tpu.memory_space<semaphore_mem>>) src(%dma_wait3A_69 : memref<4000xf32, #tpu.memory_space<hbm>>) dst(%arg16 : memref<4000xf32, #tpu.memory_space<vmem>>)
      %parallel_loop3A_70 = arith.constant 0 : i32
      %parallel_loop3A_71 = arith.constant 250 : i32
      %parallel_loop3A_72 = arith.constant 1 : i32
      scf.for %parallel_loop3A_80 = %parallel_loop3A_70 to %parallel_loop3A_71 step %parallel_loop3A_72  : i32 {
        %parallel_loop3A_81 = arith.constant 16 : i32
        %parallel_loop3A_82 = arith.muli %parallel_loop3A_80, %parallel_loop3A_81 : i32
        %parallel_loop3A_83 = arith.index_cast %parallel_loop3A_82 : i32 to index
        %parallel_loop3A_84 = tpu.vector_load %arg12[%parallel_loop3A_83] {strides = array<i32>} : memref<4000xi32, #tpu.memory_space<vmem>>, vector<16xi32>,
        %parallel_loop3A_85 = arith.constant 16 : i32
        %parallel_loop3A_86 = arith.muli %parallel_loop3A_80, %parallel_loop3A_85 : i32
        %parallel_loop3A_87 = arith.index_cast %parallel_loop3A_86 : i32 to index
        %parallel_loop3A_88 = tpu.vector_load %arg14[%parallel_loop3A_87] {strides = array<i32>} : memref<4000xi32, #tpu.memory_space<vmem>>, vector<16xi32>,
        %parallel_loop3A_89 = arith.constant 16 : i32
        %parallel_loop3A_90 = arith.muli %parallel_loop3A_80, %parallel_loop3A_89 : i32
        %parallel_loop3A_91 = arith.index_cast %parallel_loop3A_90 : i32 to index
        %parallel_loop3A_92 = tpu.vector_load %arg16[%parallel_loop3A_91] {strides = array<i32>} : memref<4000xf32, #tpu.memory_space<vmem>>, vector<16xf32>,
        %parallel_loop3A_93 = arith.constant 0 : i32
        %parallel_loop3A_94 = vector.broadcast %parallel_loop3A_93 : i32 to vector<16xi32>
        %parallel_loop3A_95 = arith.addi %parallel_loop3A_84, %parallel_loop3A_94 : vector<16xi32>
        %parallel_loop3A_96 = tpu.vector_load_idx %arg9[%parallel_loop3A_95] : memref<40000xf32, #tpu.memory_space<vmem>>[vector<16xi32>], vector<16xf32>,
        %parallel_loop3A_97 = arith.constant 0 : i32
        %parallel_loop3A_98 = vector.broadcast %parallel_loop3A_97 : i32 to vector<16xi32>
        %parallel_loop3A_99 = arith.addi %parallel_loop3A_88, %parallel_loop3A_98 : vector<16xi32>
        %parallel_loop3A_100 = arith.mulf %parallel_loop3A_96, %parallel_loop3A_92 : vector<16xf32>
        tpu.vector_store_idx %arg10[%parallel_loop3A_99], %parallel_loop3A_100 {add = true} : memref<40000xf32, #tpu.memory_space<vmem>>[vector<16xi32>], vector<16xf32>,
        %parallel_loop3A_101 = arith.constant 10000 : i32
        %parallel_loop3A_102 = vector.broadcast %parallel_loop3A_101 : i32 to vector<16xi32>
        %parallel_loop3A_103 = arith.addi %parallel_loop3A_84, %parallel_loop3A_102 : vector<16xi32>
        %parallel_loop3A_104 = tpu.vector_load_idx %arg9[%parallel_loop3A_103] : memref<40000xf32, #tpu.memory_space<vmem>>[vector<16xi32>], vector<16xf32>,
        %parallel_loop3A_105 = arith.constant 10000 : i32
        %parallel_loop3A_106 = vector.broadcast %parallel_loop3A_105 : i32 to vector<16xi32>
        %parallel_loop3A_107 = arith.addi %parallel_loop3A_88, %parallel_loop3A_106 : vector<16xi32>
        %parallel_loop3A_108 = arith.mulf %parallel_loop3A_104, %parallel_loop3A_92 : vector<16xf32>
        tpu.vector_store_idx %arg10[%parallel_loop3A_107], %parallel_loop3A_108 {add = true} : memref<40000xf32, #tpu.memory_space<vmem>>[vector<16xi32>], vector<16xf32>,
        %parallel_loop3A_109 = arith.constant 20000 : i32
        %parallel_loop3A_110 = vector.broadcast %parallel_loop3A_109 : i32 to vector<16xi32>
        %parallel_loop3A_111 = arith.addi %parallel_loop3A_84, %parallel_loop3A_110 : vector<16xi32>
        %parallel_loop3A_112 = tpu.vector_load_idx %arg9[%parallel_loop3A_111] : memref<40000xf32, #tpu.memory_space<vmem>>[vector<16xi32>], vector<16xf32>,
        %parallel_loop3A_113 = arith.constant 20000 : i32
        %parallel_loop3A_114 = vector.broadcast %parallel_loop3A_113 : i32 to vector<16xi32>
        %parallel_loop3A_115 = arith.addi %parallel_loop3A_88, %parallel_loop3A_114 : vector<16xi32>
        %parallel_loop3A_116 = arith.mulf %parallel_loop3A_112, %parallel_loop3A_92 : vector<16xf32>
        tpu.vector_store_idx %arg10[%parallel_loop3A_115], %parallel_loop3A_116 {add = true} : memref<40000xf32, #tpu.memory_space<vmem>>[vector<16xi32>], vector<16xf32>,
        %parallel_loop3A_117 = arith.constant 30000 : i32
        %parallel_loop3A_118 = vector.broadcast %parallel_loop3A_117 : i32 to vector<16xi32>
        %parallel_loop3A_119 = arith.addi %parallel_loop3A_84, %parallel_loop3A_118 : vector<16xi32>
        %parallel_loop3A_120 = tpu.vector_load_idx %arg9[%parallel_loop3A_119] : memref<40000xf32, #tpu.memory_space<vmem>>[vector<16xi32>], vector<16xf32>,
        %parallel_loop3A_121 = arith.constant 30000 : i32
        %parallel_loop3A_122 = vector.broadcast %parallel_loop3A_121 : i32 to vector<16xi32>
        %parallel_loop3A_123 = arith.addi %parallel_loop3A_88, %parallel_loop3A_122 : vector<16xi32>
        %parallel_loop3A_124 = arith.mulf %parallel_loop3A_120, %parallel_loop3A_92 : vector<16xf32>
        tpu.vector_store_idx %arg10[%parallel_loop3A_123], %parallel_loop3A_124 {add = true} : memref<40000xf32, #tpu.memory_space<vmem>>[vector<16xi32>], vector<16xf32>,
      } {sc.loop_unroll_factor = 5 : i64, sc.parallel_access}
      %add3A_73 = arith.constant 2 : i32
      %add3A_74 = arith.addi %add3A_61, %add3A_73 : i32
      %lt3A_75 = arith.constant 80 : i32
      %lt3A_76 = arith.cmpi slt, %add3A_74, %lt3A_75 : i32
      %convert_element_type3A_77 = arith.extui %lt3A_76 : i1 to i32
      %cond3A_78 = arith.constant 0 : i32
      %cond3A_79 = arith.cmpi ne, %convert_element_type3A_77, %cond3A_78 : i32
      scf.if %cond3A_79 {
        %add3A_80 = arith.constant 2 : i32
        %add3A_81 = arith.addi %add3A_61, %add3A_80 : i32
        %mul3A_82 = arith.constant 4000 : i32
        %mul3A_83 = arith.muli %add3A_81, %mul3A_82 : i32
        %dma_start3A_84 = tpu.memref_slice %arg4[%mul3A_83] : memref<320000xi32, #tpu.memory_space<hbm>> -> memref<4000xi32, #tpu.memory_space<hbm>>
        %dma_start3A_85 = tpu.memref_slice %arg4[%mul3A_83] : memref<320000xi32, #tpu.memory_space<hbm>> -> memref<4000xi32, #tpu.memory_space<hbm>>
        tpu.enqueue_dma source(%dma_start3A_85 : memref<4000xi32, #tpu.memory_space<hbm>>) target(%arg12 : memref<4000xi32, #tpu.memory_space<vmem>>) target_semaphore(%arg18 : memref<!tpu.dma_semaphore, #tpu.memory_space<semaphore_mem>>)
        %dma_start3A_86 = tpu.memref_slice %arg5[%mul3A_83] : memref<320000xi32, #tpu.memory_space<hbm>> -> memref<4000xi32, #tpu.memory_space<hbm>>
        %dma_start3A_87 = tpu.memref_slice %arg5[%mul3A_83] : memref<320000xi32, #tpu.memory_space<hbm>> -> memref<4000xi32, #tpu.memory_space<hbm>>
        tpu.enqueue_dma source(%dma_start3A_87 : memref<4000xi32, #tpu.memory_space<hbm>>) target(%arg14 : memref<4000xi32, #tpu.memory_space<vmem>>) target_semaphore(%arg18 : memref<!tpu.dma_semaphore, #tpu.memory_space<semaphore_mem>>)
        %dma_start3A_88 = tpu.memref_slice %arg6[%mul3A_83] : memref<320000xf32, #tpu.memory_space<hbm>> -> memref<4000xf32, #tpu.memory_space<hbm>>
        %dma_start3A_89 = tpu.memref_slice %arg6[%mul3A_83] : memref<320000xf32, #tpu.memory_space<hbm>> -> memref<4000xf32, #tpu.memory_space<hbm>>
        tpu.enqueue_dma source(%dma_start3A_89 : memref<4000xf32, #tpu.memory_space<hbm>>) target(%arg16 : memref<4000xf32, #tpu.memory_space<vmem>>) target_semaphore(%arg18 : memref<!tpu.dma_semaphore, #tpu.memory_space<semaphore_mem>>)
      } else {
      }
    }
    %scan3A_37 = arith.constant 40 : i32
    %parallel_loop3A = arith.constant 0 : i32
    %parallel_loop3A_38 = arith.constant 2500 : i32
    %parallel_loop3A_39 = arith.constant 1 : i32
    scf.for %parallel_loop3A_40 = %parallel_loop3A to %parallel_loop3A_38 step %parallel_loop3A_39  : i32 {
      %parallel_loop3A_41 = arith.constant 16 : i32
      %parallel_loop3A_42 = arith.muli %parallel_loop3A_40, %parallel_loop3A_41 : i32
      %parallel_loop3A_43 = arith.index_cast %parallel_loop3A_42 : i32 to index
      %parallel_loop3A_44 = tpu.vector_load %arg10[%parallel_loop3A_43] {strides = array<i32>} : memref<40000xf32, #tpu.memory_space<vmem>>, vector<16xf32>,
      %parallel_loop3A_45 = arith.constant 0.000000e+00 : f32
      %parallel_loop3A_46 = vector.broadcast %parallel_loop3A_45 : f32 to vector<16xf32>
      %parallel_loop3A_47 = arith.maximumf %parallel_loop3A_44, %parallel_loop3A_46 : vector<16xf32>
      %parallel_loop3A_48 = arith.constant 16 : i32
      %parallel_loop3A_49 = arith.muli %parallel_loop3A_40, %parallel_loop3A_48 : i32
      %parallel_loop3A_50 = arith.index_cast %parallel_loop3A_49 : i32 to index
      %parallel_loop3A_51 = tpu.vector_load %arg10[%parallel_loop3A_50] {strides = array<i32>} : memref<40000xf32, #tpu.memory_space<vmem>>, vector<16xf32>,
      tpu.vector_store %arg10[%parallel_loop3A_50], %parallel_loop3A_47 {strides = array<i32>} : memref<40000xf32, #tpu.memory_space<vmem>>, vector<16xf32>,
    } {sc.loop_unroll_factor = 8 : i64, sc.parallel_access}
    "tpu.region"() ({
      %run_scoped3A = tpu.sem_alloc : memref<!tpu.dma_semaphore, #tpu.memory_space<semaphore_mem>>
      %dma_start3A_40 = tpu.memref_slice %arg8[%mul3A_2] : memref<1280000xf32, #tpu.memory_space<hbm>> -> memref<40000xf32, #tpu.memory_space<hbm>>
      %dma_start3A_41 = tpu.memref_slice %arg8[%mul3A_2] : memref<1280000xf32, #tpu.memory_space<hbm>> -> memref<40000xf32, #tpu.memory_space<hbm>>
      tpu.enqueue_dma source(%arg10 : memref<40000xf32, #tpu.memory_space<vmem>>) target(%dma_start3A_41 : memref<40000xf32, #tpu.memory_space<hbm>>) target_semaphore(%run_scoped3A : memref<!tpu.dma_semaphore, #tpu.memory_space<semaphore_mem>>)
      %dma_wait3A_42 = tpu.memref_slice %arg8[%mul3A_2] : memref<1280000xf32, #tpu.memory_space<hbm>> -> memref<40000xf32, #tpu.memory_space<hbm>>
      %dma_wait3A_43 = tpu.memref_slice %arg8[%mul3A_2] : memref<1280000xf32, #tpu.memory_space<hbm>> -> memref<40000xf32, #tpu.memory_space<hbm>>
      tpu.wait_dma2 semaphore(%run_scoped3A : memref<!tpu.dma_semaphore, #tpu.memory_space<semaphore_mem>>) src(%arg10 : memref<40000xf32, #tpu.memory_space<vmem>>) dst(%dma_wait3A_43 : memref<40000xf32, #tpu.memory_space<hbm>>)
      tpu.yield
    }) : () -> ()
    return
  }
}

module attributes {stable_mosaic.version = 14 : i64} {
  func.func @_tc_pre_kernel(%arg0: memref<128x10000xf32, #tpu.memory_space<vmem>>, %arg1: memref<128x128xf32, #tpu.memory_space<vmem>>, %arg2: memref<128x128xf32, #tpu.memory_space<vmem>>, %arg3: memref<128x1xf32, #tpu.memory_space<vmem>>, %arg4: memref<128x10000xf32, #tpu.memory_space<vmem>>, %arg5: memref<128x10000xf32, #tpu.memory_space<vmem>>) attributes {dimension_semantics = [], scalar_prefetch = 0 : i64, scratch_operands = 0 : i64, tpu.core_type = #tpu.core_type<tc>} {
    %get3A = arith.constant 0 : index
    %get3A_0 = arith.constant 0 : index
    %get3A_1 = vector.load %arg0[%get3A, %get3A_0] : memref<128x10000xf32, #tpu.memory_space<vmem>>, vector<128x10000xf32>
    %get3A_2 = arith.constant 0 : index
    %get3A_3 = arith.constant 0 : index
    %get3A_4 = vector.load %arg1[%get3A_2, %get3A_3] : memref<128x128xf32, #tpu.memory_space<vmem>>, vector<128x128xf32>
    %dot_general3A = arith.constant dense<0.000000e+00> : vector<128x10000xf32>
    %dot_general3A_5 = tpu.matmul %get3A_4, %get3A_1, %dot_general3A {dimension_numbers = #tpu.dot_dimension_numbers<[1], [0], [0], [1], [0, 0, 1, 1], [], []>, transpose_lhs_hint = false} : vector<128x128xf32>, vector<128x10000xf32>, vector<128x10000xf32> -> vector<128x10000xf32>
    %get3A_6 = arith.constant 0 : index
    %get3A_7 = arith.constant 0 : index
    %get3A_8 = vector.load %arg3[%get3A_6, %get3A_7] : memref<128x1xf32, #tpu.memory_space<vmem>>, vector<128x1xf32>
    %add3A = vector.broadcast %get3A_8 : vector<128x1xf32> to vector<128x10000xf32>
    %add3A_9 = arith.addf %dot_general3A_5, %add3A : vector<128x10000xf32>
    %swap3A = arith.constant 0 : index
    %swap3A_10 = arith.constant 0 : index
    %swap3A_11 = vector.load %arg4[%swap3A, %swap3A_10] : memref<128x10000xf32, #tpu.memory_space<vmem>>, vector<128x10000xf32>
    tpu.vector_store %arg4[%swap3A, %swap3A_10], %add3A_9 {strides = array<i32>} : memref<128x10000xf32, #tpu.memory_space<vmem>>, vector<128x10000xf32>,
    %get3A_12 = arith.constant 0 : index
    %get3A_13 = arith.constant 0 : index
    %get3A_14 = vector.load %arg2[%get3A_12, %get3A_13] : memref<128x128xf32, #tpu.memory_space<vmem>>, vector<128x128xf32>
    %dot_general3A_15 = arith.constant dense<0.000000e+00> : vector<128x10000xf32>
    %dot_general3A_16 = tpu.matmul %get3A_14, %get3A_1, %dot_general3A_15 {dimension_numbers = #tpu.dot_dimension_numbers<[1], [0], [0], [1], [0, 0, 1, 1], [], []>, transpose_lhs_hint = false} : vector<128x128xf32>, vector<128x10000xf32>, vector<128x10000xf32> -> vector<128x10000xf32>
    %swap3A_17 = arith.constant 0 : index
    %swap3A_18 = arith.constant 0 : index
    %swap3A_19 = vector.load %arg5[%swap3A_17, %swap3A_18] : memref<128x10000xf32, #tpu.memory_space<vmem>>, vector<128x10000xf32>
    tpu.vector_store %arg5[%swap3A_17, %swap3A_18], %dot_general3A_16 {strides = array<i32>} : memref<128x10000xf32, #tpu.memory_space<vmem>>, vector<128x10000xf32>,
    return
  }
}

</mosaic_0001>

<sc_bundles>
// kernel: kernel.6.cloned.1.call-start
scs
__scs_entry_jumppad:
0x0: {  	(pc) =	sbr.rel $0x88, $3  }
0x1: {  	(tag) =	ssettag $0x0;
	lr =	simm.s32 $0x1  }
0x2: {  	[smem:$0x3F96] =	sst lr;
	_ =	strace $0xD0000000  }
0x3: {  	_ = 	snop  }
0x4: {  	_ = 	snop  }
0x5: {  	_ = 	snop  }
0x6: {  	_ = 	snop  }
0x7: {  	_ = 	snop  }
__scs_overlays_trampoline_lowered:
0x8: {  	[smem:$0x3FA5] =	sst s0  }
0x9: {  	[smem:$0x3FA6] =	sst s1  }
0xa: {  	[smem:$0x3FA7] =	sst s2  }
0xb: {  	[smem:$0x3FA8] =	sst s3  }
0xc: {  	[smem:$0x3FA9] =	sst s4  }
0xd: {  	[smem:$0x3FAA] =	sst s5  }
0xe: {  	[smem:$0x3FAB] =	sst s6  }
0xf: {  	[smem:$0x3FAC] =	sst s7  }
0x10: {  	[smem:$0x3FAD] =	sst s8  }
0x11: {  	[smem:$0x3FAE] =	sst s9;
	s0 =	simm.s32 @!p0 $0x0  }
0x12: {  	s1 =	sld [smem:$0x3F94];
	s0 =	simm.s32 @p0 $0x1  }
0x13: {  	[smem:$0x3FAF] =	sst s0;
	s0 =	simm.s32 @!p1 $0x0  }
0x14: {  	s2 =	sld [smem:$0x3F93];
	s0 =	simm.s32 @p1 $0x1  }
0x15: {  	[smem:$0x3FB0] =	sst s0;
	s0 =	simm.s32 @!p2 $0x0  }
0x16: {  	s3 =	sld [smem:$0x3FDB];
	s0 =	simm.s32 @p2 $0x1  }
0x17: {  	s4 =	simm.s32 $0x1BF5;
	[smem:$0x3FB2] =	sst s0  }
0x18: {  	s0 =	sld [smem:$0x3F95];
	_ =	swait.ge [sflag:s4], $0x0  }
0x19: {  	s7 =	sld [smem:$0x3F96]  }
0x1a: {  	s8 =	sadd.s32 $0xFFFFE003, lr  }
0x1b: {  	s9 =	sadd.s32 $0xFFFFFEF7, lr;
	s5 =	simm.s32 $0xFFFFFFFF;
	p2 =	slt.u32 s8, $0xFFFFF086  }
0x1c: {  	p1 =	slt.u32 s9, $0xF7A;
	s5 =	simm.s32 @!p2 $0x0  }
0x1d: {  	s5 =	simm.s32 @p1 $0x1;
	p0 =	seq.s32 s7, s2  }
0x1e: {  	s7 =	smul.u32 @!p0 $0xF7A, s2;
	p2 =	seq.s32 @!p0 s5, $0x0  }
0x1f: {  	s9 =	smul.u32 $0xF7A, s1;
	s8 =	simm.s32 @!p0 $0x1BF5;
	p2 =	por !p2, p0  }
0x20: {  	[sflag:s8] =	ssyncset.s32 @!p0 $0xFFFFF086;
	s6 =	sadd.s32 @!p0 s3, s7;
	s7 =	simm.s32 @!p0 $0x108  }
0x21: {  	s3 =	sadd.s32 s3, s9;
	s6 =	sadd.s32 @!p0 $0x88, s6;
	s7 =	simm.s32 @p2 $0x1082  }
0x22: {  	[simem:s7], [sflag:s8] =	dma.local @!p0 [hbm:s6], $0xF7A  }
0x23: {  	s9 =	sor.u32 $0xD0000000, s2;
	s6 =	simm.s32 $0x108;
	_ =	swait.ge @!p0 [sflag:s8], $0x0  }
0x24: {  	s3 =	sadd.s32 $0x88, s3;
	s6 =	simm.s32 @!p1 $0x1082;
	[sflag:s4] =	ssyncset.s32 $0xFFFFF086  }
0x25: {  	[simem:s6], [sflag:s4] =	dma.local [hbm:s3], $0xF7A  }
0x26: {  	[smem:$0x3F96] =	sst s1;
	(tag) =	ssettag s2;
	_ =	strace s9  }
0x27: {  	s1 =	sld [smem:$0x3FA6]  }
0x28: {  	s2 =	sld [smem:$0x3FA7]  }
0x29: {  	s4 =	sld [smem:$0x3FA9]  }
0x2a: {  	p0 =	seq.s32 s5, $0x0;
	s5 =	sld [smem:$0x3FAA]  }
0x2b: {  	s6 =	sld [smem:$0x3FAB]  }
0x2c: {  	s7 =	sld [smem:$0x3FAC]  }
0x2d: {  	s3 =	simm.s32 $0x108;
	s8 =	sld [smem:$0x3FAD]  }
0x2e: {  	s3 =	simm.s32 @!p0 $0x1082;
	s9 =	sld [smem:$0x3FAE]  }
0x2f: {  	lr =	sadd.s32 s0, s3;
	s0 =	sld [smem:$0x3FA5]  }
0x30: {  	s3 =	sld [smem:$0x3FA8]  }
0x31: {  	[smem:$0x3FB1] =	sst s10  }
0x32: {  	s10 =	sld [smem:$0x3FAF];
	_ =	sdelay $0x3  }
0x33: {  	p0 =	seq.s32 s10, $0x1;
	s10 =	sld [smem:$0x3FB1];
	_ =	sdelay $0x3  }
0x34: {  	[smem:$0x3FB1] =	sst s10  }
0x35: {  	s10 =	sld [smem:$0x3FB0];
	_ =	sdelay $0x3  }
0x36: {  	p1 =	seq.s32 s10, $0x1;
	s10 =	sld [smem:$0x3FB1];
	_ =	sdelay $0x3  }
0x37: {  	[smem:$0x3FB1] =	sst s10  }
0x38: {  	s10 =	sld [smem:$0x3FB2]  }
0x39: {  	_ = 	snop;
	(pc) =	sbr.ind lr, $3  }
0x3a: {  	_ = 	snop  }
0x3b: {  	_ = 	snop  }
0x3c: {  	p2 =	seq.s32 s10, $0x1;
	s10 =	sld [smem:$0x3FB1]  }
0x3d: {  	_ =	shalt  }
0x3e: {  	_ =	shalt  }
0x3f: {  	_ =	shalt  }
0x40: {  	_ =	shalt  }
0x41: {  	_ =	shalt  }
0x42: {  	_ =	shalt  }
0x43: {  	_ =	shalt  }
0x44: {  	_ =	shalt  }
0x45: {  	_ =	shalt  }
0x46: {  	_ =	shalt  }
0x47: {  	_ =	shalt  }
0x48: {  	_ =	shalt  }
0x49: {  	_ =	shalt  }
0x4a: {  	_ =	shalt  }
0x4b: {  	_ =	shalt  }
0x4c: {  	_ =	shalt  }
0x4d: {  	_ =	shalt  }
0x4e: {  	_ =	shalt  }
0x4f: {  	_ =	shalt  }
0x50: {  	_ =	shalt  }
0x51: {  	_ =	shalt  }
0x52: {  	_ =	shalt  }
0x53: {  	_ =	shalt  }
0x54: {  	_ =	shalt  }
0x55: {  	_ =	shalt  }
0x56: {  	_ =	shalt  }
0x57: {  	_ =	shalt  }
0x58: {  	_ =	shalt  }
0x59: {  	_ =	shalt  }
0x5a: {  	_ =	shalt  }
0x5b: {  	_ =	shalt  }
0x5c: {  	_ =	shalt  }
0x5d: {  	_ =	shalt  }
0x5e: {  	_ =	shalt  }
0x5f: {  	_ =	shalt  }
0x60: {  	_ =	shalt  }
0x61: {  	_ =	shalt  }
0x62: {  	_ =	shalt  }
0x63: {  	_ =	shalt  }
0x64: {  	_ =	shalt  }
0x65: {  	_ =	shalt  }
0x66: {  	_ =	shalt  }
0x67: {  	_ =	shalt  }
0x68: {  	_ =	shalt  }
0x69: {  	_ =	shalt  }
0x6a: {  	_ =	shalt  }
0x6b: {  	_ =	shalt  }
0x6c: {  	_ =	shalt  }
0x6d: {  	_ =	shalt  }
0x6e: {  	_ =	shalt  }
0x6f: {  	_ =	shalt  }
0x70: {  	_ =	shalt  }
0x71: {  	_ =	shalt  }
0x72: {  	_ =	shalt  }
0x73: {  	_ =	shalt  }
0x74: {  	_ =	shalt  }
0x75: {  	_ =	shalt  }
0x76: {  	_ =	shalt  }
0x77: {  	_ =	shalt  }
0x78: {  	_ =	shalt  }
0x79: {  	_ =	shalt  }
0x7a: {  	_ =	shalt  }
0x7b: {  	_ =	shalt  }
0x7c: {  	_ =	shalt  }
0x7d: {  	_ =	shalt  }
0x7e: {  	_ =	shalt  }
0x7f: {  	_ =	shalt  }
0x80: {  	_ =	shalt  }
0x81: {  	_ =	shalt  }
0x82: {  	_ =	shalt  }
0x83: {  	_ =	shalt  }
0x84: {  	_ =	shalt  }
0x85: {  	_ =	shalt  }
0x86: {  	_ =	shalt  }
0x87: {  	_ =	shalt  }
.Lfunc_end0:
.L_simem_size_0:
called_computation_lowered:
.L_overlay_start_0:
0x88: {  	s2 =	sld [smem:$0x3FD9]  }
0x89: {  	s3 =	sld [smem:$0x3FFE];
	_ =	sdelay $0x1  }
0x8a: {  	s1 =	srdreg.scid  }
0x8b: {  	s0 =	sand.u32 $0x1, s1  }
0x8c: {  	s17 =	sshll.u32 s0, $0xA;
	s2 =	sadd.s32 s3, s2  }
0x8d: {  	s2 =	sadd.s32 s2, s17  }
0x8e: {  	[smem:$0x3FBD] =	sst s2  }
0x8f: {  	_ = 	snop  }
0x90: {  	s2 =	sld [smem:$0x3FC7];
	(tm) =	ssettm $0x1  }
0x91: {  	s18 =	sld [smem:$0x3FFB];
	_ =	sdelay $0x3  }
0x92: {  	_ =	strace s18  }
0x93: {  	s3 =	sld [smem:$0x3FFC];
	_ =	sdelay $0x3  }
0x94: {  	_ =	strace s3  }
0x95: {  	s3 =	sld [smem:$0x3FFD];
	_ =	sdelay $0x3  }
0x96: {  	_ =	strace s3  }
0x97: {  	_ =	strace $0x8FFFFFFF  }
0x98: {  	s19 =	sld [smem:$0x3FDB];
	_ =	sdelay $0x1  }
0x99: {  	s4 =	simm.s32 $_scs_section_size  }
0x9a: {  	s5 =	simm.s32 $_size__tile_overlayer_lowered;
	s6 =	simm.s32 $_tile_overlayer_lowered  }
0x9b: {  	s22 =	simm.s32 $0x1BFF;
	s21 =	sshll.u32 s6, $0x1;
	s3 =	sadd.s32 s4, s19  }
0x9c: {  	s7 =	simm.s32 $0x0;
	s20 =	sshll.u32 s5, $0x1;
	s5 =	sadd.s32 s21, s3  }
0x9d: {  	[timem:s7], [sflag:s22] =	dma.local [hbm:s5], s20  }
0x9e: {  	_ =	swait.ge [sflag:s22], s20  }
0x9f: {  	s4 =	ssub.s32 $0x0, s20;
	[sflag:s22] =	ssyncset.done $0x0  }
0xa0: {  	[sflag:s22] =	ssyncadd.s32 s4;
	_ =	sdelay $0x1  }
0xa1: {  	s23 =	simm.s32 $0x1B8B  }
0xa2: {  	_ =	swait.ge [sflag:s23], $0x1  }
0xa3: {  	[sflag:s23] =	ssyncset.done $0x0  }
0xa4: {  	s25 =	simm.s32 $0x1B8E;
	s24 =	sld [smem:$0x3FFE];
	[sflag:s23] =	ssyncadd.s32 $0xFFFFFFFF  }
0xa5: {  	s26 =	simm.s32 $execute0_lowered;
	[smem:$0x3FD2] =	sst s25  }
0xa6: {  	s5 =	sshll.u32 s26, $0x1;
	_ =	strace $0x80000046;
	[dreg:$0x1] =	wrdreg $0xFFFFFFFF  }
0xa7: {  	s28 =	simm.s32 $_size_execute0_lowered;
	s3 =	sadd.s32 s3, s5;
	[dreg:$0x0] =	wrdreg $0x0  }
0xa8: {  	s5 =	sshll.u32 s28, $0x1;
	[dreg:$0x2] =	wrdreg s3  }
0xa9: {  	[dreg:$0x3] =	wrdreg s5  }
0xaa: {  	[dreg:$0x4] =	wrdreg $0xC0  }
0xab: {  	_ =	task [dreg:s7], $0x5FFFF  }
0xac: {  	[dreg:$0x1] =	wrdreg $0xFFFFFFFF  }
0xad: {  	[dreg:$0x0] =	wrdreg $0x60  }
0xae: {  	[dreg:$0x2] =	wrdreg s24  }
0xaf: {  	[dreg:$0x3] =	wrdreg s2  }
0xb0: {  	[dreg:$0x4] =	wrdreg $0x9  }
0xb1: {  	_ =	task.clear_ibuf [dreg:s7], $0x5FFFF;
	_ =	strace $0x90000046  }
0xb2: {  	s29 =	simm.s32 $0x9;
	_ =	strace $0x80000048  }
0xb3: {  	_ =	swait.ge [sflag:s29], $0x1  }
0xb4: {  	[sflag:s29] =	ssyncadd.s32 $0xFFFFFFFF  }
0xb5: {  	_ =	strace $0x90000048  }
0xb6: {  	_ =	sfence  }
0xb7: {  	s30 =	sld [smem:$0x0];
	_ =	sdelay $0x2  }
0xb8: {  	s31 =	sshll.u32 s1, $0xD;
	s1 =	sshrl.u32 s1, $0x2  }
0xb9: {  	s3 =	sand.u32 $0x4000, s31;
	s1 =	sadd.s32 s1, s30  }
0xba: {  	s0 =	sor.u32 s3, s0;
	s1 =	sshll.u32 s1, $0x11  }
0xbb: {  	s0 =	sor.u32 s1, s0  }
0xbc: {  	s0 =	sadd.s32 $0x8F2B, s0  }
0xbd: {  	[sflag:s0] =	ssyncadd.remote.s32 $0x1  }
0xbe: {  	_ =	sfence.sel $0xFFFF  }
0xbf: {  	[dreg:$0x0] =	wrdreg $0xFFFFFFFF;
	(pc) =	sbr.abs _section_cstart, $3  }
0xc0: {  	[dreg:$0x1] =	wrdreg $0xFFFFFFFF  }
0xc1: {  	_ =	task.clear_ibuf [dreg:s7], $0x2FFFF;
	_ =	strace $0x9FFFFFFF  }
0xc2: {  	(tm) =	ssettm $0x7FFFFFFF  }
0xc3: {  	_ =	shalt  }
tec
execute0_lowered:
.L_overlay_start_1:
0x0: {  	(tag) =	ssettag $0x1  }
0x1: {  	s9 =	rddreg [dreg:$0x0];
	s1 =	srdreg.scid  }
0x2: {  	s0 =	stileid.u32;
	s2 =	rddreg [dreg:$0x1];
	s3 =	simm.s32 $0x0  }
0x3: {  	s13 =	simm.s32 $0x9C80;
	s14 =	simm.s32 $0x13900;
	s15 =	simm.s32 $0x15900  }
0x4: {  	s16 =	simm.s32 $0x17900;
	s17 =	simm.s32 $0x14900;
	s18 =	simm.s32 $0x16900  }
0x5: {  	s19 =	simm.s32 $0x18900;
	s20 =	simm.s32 $0x3;
	s21 =	simm.s32 $0x4  }
0x6: {  	s22 =	simm.s32 $0x1;
	s23 =	simm.s32 $0x2;
	s24 =	simm.s32 $0x5  }
0x7: {  	s25 =	simm.s32 $0x0;
	s5 =	sand.u32 $0x1, s1;
	s1 =	rddreg [dreg:$0x2]  }
0x8: {  	s4 =	sshll.u32 s0, $0x1;
	[smem:$0x7FF] =	sst s3;
	s8 =	sadd.s32 $0x585F4, s9  }
0x9: {  	s10 =	sadd.s32 $0x1F4, s2;
	s4 =	sor.u32 s5, s4;
	s7 =	ssub.s32 $0x2, s5  }
0xa: {  	_ =	strace $0x80000047;
	s6 =	smul.u32 $0x1388, s4;
	s31 =	sshrl.u32 s7, $0x1  }
0xb: {  	s5 =	sadd.s32 $0x4E600, s9;
	s4 =	sadd.s32 $0x58400, s9;
	s12 =	ssub.s32 s7, s31  }
0xc: {  	s11 =	sadd.s32 s6, s9;
	s9 =	sadd.s32 $0x4E7F4, s9;
	s12 =	smax.u32 s12, $0x1  }
0xd: {  	s6 =	sadd.s32 $0x200, s11;
	s7 =	sadd.s32 $0x27400, s11;
	s11 =	sadd.s32 $0x62200, s11  }
.LBB2_1:
0xe: {  	[tilespmem:s3], [sflag:$0x3] =	stream.linear.gather [hbm4b:s6+s3], $0x9C40, $0x38;
	[tilespmem:$0x19900] =	vst v63  }
0xf: {  	_ = 	snop  }
0x10: {  	[tilespmem:s13], [sflag:$0x4] =	stream.linear.gather [hbm4b:s7+s3], $0x9C40, $0x38;
	[tilespmem:$0x19900] =	vst v63  }
0x11: {  	_ = 	snop  }
0x12: {  	[tilespmem:s14], [sflag:$0x1] =	stream.linear.gather [hbm4b:s4+s3], $0xFA0, $0x38;
	[tilespmem:$0x19900] =	vst v63  }
0x13: {  	_ = 	snop  }
0x14: {  	[tilespmem:s15], [sflag:$0x1] =	stream.linear.gather [hbm4b:s5+s3], $0xFA0, $0x38;
	[tilespmem:$0x19900] =	vst v63  }
0x15: {  	_ = 	snop  }
0x16: {  	[tilespmem:s16], [sflag:$0x1] =	stream.linear.gather [hbm4b:s2+s3], $0xFA0, $0x38;
	[tilespmem:$0x19900] =	vst v63  }
0x17: {  	_ = 	snop  }
0x18: {  	[tilespmem:s17], [sflag:$0x2] =	stream.linear.gather [hbm4b:s8+s3], $0xFA0, $0x38;
	[tilespmem:$0x19900] =	vst v63  }
0x19: {  	_ = 	snop  }
0x1a: {  	[tilespmem:s18], [sflag:$0x2] =	stream.linear.gather [hbm4b:s9+s3], $0xFA0, $0x38;
	[tilespmem:$0x19900] =	vst v63  }
0x1b: {  	_ = 	snop  }
0x1c: {  	[tilespmem:s19], [sflag:$0x2] =	stream.linear.gather [hbm4b:s10+s3], $0xFA0, $0x38;
	[tilespmem:$0x19900] =	vst v63  }
0x1d: {  	_ =	swait.ge [sflag:s20], $0x9C40  }
0x1e: {  	[sflag:s20] =	ssyncset.done $0x0  }
0x1f: {  	[sflag:s20] =	ssyncadd.s32 $0xFFFF63C0  }
0x20: {  	_ =	swait.ge [sflag:s21], $0x9C40  }
0x21: {  	[sflag:s21] =	ssyncset.done $0x0  }
0x22: {  	s26 =	simm.s32 $0x0;
	[sflag:s21] =	ssyncadd.s32 $0xFFFF63C0  }
.LBB2_2:
0x23: {  	_ =	swait.ge [sflag:s22], $0xFA0  }
0x24: {  	[sflag:s22] =	ssyncset.done $0x0  }
0x25: {  	[sflag:s22] =	ssyncadd.s32 $0xFFFFF060  }
0x26: {  	_ =	swait.ge [sflag:s22], $0xFA0  }
0x27: {  	[sflag:s22] =	ssyncset.done $0x0  }
0x28: {  	[sflag:s22] =	ssyncadd.s32 $0xFFFFF060  }
0x29: {  	_ =	swait.ge [sflag:s22], $0xFA0  }
0x2a: {  	[sflag:s22] =	ssyncset.done $0x0  }
0x2b: {  	s28 =	simm.s32 $0x13920;
	[sflag:s22] =	ssyncadd.s32 $0xFFFFF060  }
0x2c: {  	v4 =	vld [tilespmem:s28+$0x20]  }
0x2d: {  	v5 =	vld [tilespmem:s28+$0xFFFFFFF0]  }
0x2e: {  	v6 =	vld [tilespmem:s28+$0x0]  }
0x2f: {  	v7 =	vld [tilespmem:s28+$0xFFFFFFE0]  }
0x30: {  	s29 =	simm.s32 $0x17920;
	v10 =	vld [tilespmem:s28+$0x10]  }
0x31: {  	v9 =	vld [tilespmem:s29+$0x20]  }
0x32: {  	s28 =	simm.s32 $0x15920;
	v3 =	vld [tilespmem:s29+$0xFFFFFFE0]  }
0x33: {  	v8 =	vld [tilespmem:s28+$0x20]  }
0x34: {  	v0 =	vld.idx.msk [tilespmem:v4+s3+$0x0], $0xffff  }
0x35: {  	v16 =	vld [tilespmem:s28+$0xFFFFFFE0]  }
0x36: {  	v18 =	vld [tilespmem:s28+$0xFFFFFFF0]  }
0x37: {  	v20 =	vld [tilespmem:s28+$0x0];
	v1 =	vadd.s32 $0x2710, v4  }
0x38: {  	v21 =	vld [tilespmem:s28+$0x10]  }
0x39: {  	v11 =	vld.idx.msk [tilespmem:v5+s3+$0x0], $0xffff;
	v2 =	vmul.f32 v0, v9  }
0x3a: {  	v13 =	vld.idx.msk [tilespmem:v7+s3+$0x0], $0xffff  }
0x3b: {  	[tilespmem:v8+s13+$0x0] =	vst.idx.add.f32.msk $0xffff, v2  }
0x3c: {  	v15 =	vld.idx.msk [tilespmem:v1+s3+$0x0], $0xffff  }
0x3d: {  	v0 =	vld [tilespmem:s29+$0xFFFFFFF0]  }
0x3e: {  	v17 =	vadd.s32 $0x2710, v8;
	v12 =	vld.idx.msk [tilespmem:v6+s3+$0x0], $0xffff  }
0x3f: {  	v14 =	vld.idx.msk [tilespmem:v10+s3+$0x0], $0xffff;
	v13 =	vmul.f32 v13, v3  }
0x40: {  	v19 =	vadd.s32 $0x4E20, v4;
	v2 =	vld [tilespmem:s29+$0x0]  }
0x41: {  	v22 =	vadd.s32 $0x2710, v7;
	[tilespmem:v16+s13+$0x0] =	vst.idx.add.f32.msk $0xffff, v13;
	v15 =	vmul.f32 v15, v9  }
0x42: {  	v1 =	vld [tilespmem:s29+$0x10];
	v11 =	vmul.f32 v11, v0  }
0x43: {  	[tilespmem:v17+s13+$0x0] =	vst.idx.add.f32.msk $0xffff, v15;
	v15 =	vadd.s32 $0x2710, v5  }
0x44: {  	[tilespmem:v18+s13+$0x0] =	vst.idx.add.f32.msk $0xffff, v11  }
0x45: {  	v12 =	vmul.f32 v12, v2;
	v11 =	vadd.s32 $0x2710, v10;
	v17 =	vld.idx.msk [tilespmem:v19+s3+$0x0], $0xffff  }
0x46: {  	v13 =	vadd.s32 $0x2710, v6;
	v58 =	vld.idx.msk [tilespmem:v22+s3+$0x0], $0xffff  }
0x47: {  	[tilespmem:v20+s13+$0x0] =	vst.idx.add.f32.msk $0xffff, v12;
	v12 =	vmul.f32 v14, v1;
	v14 =	vadd.s32 $0x4E20, v8  }
0x48: {  	v4 =	vadd.s32 $0x7530, v4;
	v15 =	vld.idx.msk [tilespmem:v15+s3+$0x0], $0xffff  }
0x49: {  	v59 =	vadd.s32 $0x2710, v16;
	[tilespmem:v21+s13+$0x0] =	vst.idx.add.f32.msk $0xffff, v12  }
0x4a: {  	v12 =	vadd.s32 $0x2710, v18;
	v11 =	vld.idx.msk [tilespmem:v11+s3+$0x0], $0xffff;
	v17 =	vmul.f32 v17, v9  }
0x4b: {  	v23 =	vadd.s32 $0x4E20, v7;
	v13 =	vld.idx.msk [tilespmem:v13+s3+$0x0], $0xffff  }
0x4c: {  	[tilespmem:v14+s13+$0x0] =	vst.idx.add.f32.msk $0xffff, v17;
	v14 =	vmul.f32 v58, v3;
	v17 =	vadd.s32 $0x2710, v21  }
0x4d: {  	v60 =	vadd.s32 $0x4E20, v5;
	v4 =	vld.idx.msk [tilespmem:v4+s3+$0x0], $0xffff;
	v15 =	vmul.f32 v15, v0  }
0x4e: {  	v24 =	vadd.s32 $0x2710, v20;
	[tilespmem:v59+s13+$0x0] =	vst.idx.add.f32.msk $0xffff, v14  }
0x4f: {  	v11 =	vmul.f32 v11, v1;
	v14 =	vadd.s32 $0x4E20, v6;
	[tilespmem:v12+s13+$0x0] =	vst.idx.add.f32.msk $0xffff, v15  }
0x50: {  	v12 =	vmul.f32 v13, v2;
	v13 =	vadd.s32 $0x4E20, v10;
	v15 =	vld.idx.msk [tilespmem:v23+s3+$0x0], $0xffff  }
0x51: {  	[tilespmem:v17+s13+$0x0] =	vst.idx.add.f32.msk $0xffff, v11  }
0x52: {  	v11 =	vadd.s32 $0x4E20, v16;
	v17 =	vld.idx.msk [tilespmem:v60+s3+$0x0], $0xffff  }
0x53: {  	v7 =	vadd.s32 $0x7530, v7;
	[tilespmem:v24+s13+$0x0] =	vst.idx.add.f32.msk $0xffff, v12  }
0x54: {  	v12 =	vadd.s32 $0x7530, v8;
	v61 =	vld.idx.msk [tilespmem:v14+s3+$0x0], $0xffff  }
0x55: {  	v62 =	vadd.s32 $0x4E20, v18;
	v63 =	vld.idx.msk [tilespmem:v13+s3+$0x0], $0xffff;
	v13 =	vmul.f32 v15, v3  }
0x56: {  	v10 =	vadd.s32 $0x7530, v10  }
0x57: {  	v4 =	vmul.f32 v4, v9;
	v8 =	vadd.s32 $0x7530, v5;
	v9 =	vadd.s32 $0x7530, v6;
	[tilespmem:v11+s13+$0x0] =	vst.idx.add.f32.msk $0xffff, v13  }
0x58: {  	v5 =	vadd.s32 $0x7530, v16;
	v6 =	vadd.s32 $0x7530, v20;
	v15 =	vmul.f32 v17, v0;
	v11 =	vld.idx.msk [tilespmem:v7+s3+$0x0], $0xffff  }
0x59: {  	v14 =	vadd.s32 $0x4E20, v21;
	[tilespmem:v12+s13+$0x0] =	vst.idx.add.f32.msk $0xffff, v4;
	v4 =	vadd.s32 $0x7530, v18;
	v13 =	vadd.s32 $0x4E20, v20  }
0x5a: {  	s30 =	simm.s32 $0x0;
	s31 =	simm.s32 $0x13970;
	v7 =	vadd.s32 $0x7530, v21;
	v12 =	vmul.f32 v61, v2;
	[tilespmem:v62+s13+$0x0] =	vst.idx.add.f32.msk $0xffff, v15;
	v15 =	vmul.f32 v63, v1  }
.LBB2_3:
0x5b: {  	v16 =	vld [tilespmem:s31+$0x20];
	s30 =	sadd.s32 $0x5, s30  }
0x5c: {  	v17 =	vld [tilespmem:s31+$0xFFFFFFF0];
	p0 =	slt.u32 s30, $0xF5  }
0x5d: {  	v19 =	vmul.f32 v11, v3;
	v18 =	vld [tilespmem:s31+$0x0]  }
0x5e: {  	v3 =	vld [tilespmem:s31+$0x10]  }
0x5f: {  	v20 =	vld [tilespmem:s31+$0xFFFFFFE0]  }
0x60: {  	[tilespmem:v13+s13+$0x0] =	vst.idx.add.f32.msk $0xffff, v12  }
0x61: {  	s28 =	sadd.s32 $0x50, s28;
	v21 =	vadd.s32 $0x2710, v17;
	v11 =	vadd.s32 $0x4E20, v17;
	v13 =	vadd.s32 $0x7530, v17;
	[tilespmem:v14+s13+$0x0] =	vst.idx.add.f32.msk $0xffff, v15  }
0x62: {  	v15 =	vadd.s32 $0x2710, v18;
	v12 =	vadd.s32 $0x4E20, v18;
	v14 =	vadd.s32 $0x7530, v18;
	v22 =	vld [tilespmem:s28+$0x20]  }
0x63: {  	s29 =	sadd.s32 $0x50, s29;
	v23 =	vadd.s32 $0x2710, v3;
	v24 =	vadd.s32 $0x4E20, v3;
	v25 =	vadd.s32 $0x7530, v3;
	v26 =	vld.idx.msk [tilespmem:v16+s3+$0x0], $0xffff  }
0x64: {  	v27 =	vadd.s32 $0x2710, v20;
	v28 =	vadd.s32 $0x4E20, v20;
	v29 =	vadd.s32 $0x7530, v20;
	v30 =	vld [tilespmem:s29+$0x20]  }
0x65: {  	v17 =	vld.idx.msk [tilespmem:v17+s3+$0x0], $0xffff  }
0x66: {  	v18 =	vld.idx.msk [tilespmem:v18+s3+$0x0], $0xffff  }
0x67: {  	v31 =	vadd.s32 $0x2710, v16;
	v20 =	vld.idx.msk [tilespmem:v20+s3+$0x0], $0xffff  }
0x68: {  	v32 =	vld.idx.msk [tilespmem:v3+s3+$0x0], $0xffff  }
0x69: {  	v3 =	vld [tilespmem:s29+$0xFFFFFFE0];
	v26 =	vmul.f32 v26, v30  }
0x6a: {  	v33 =	vld [tilespmem:s29+$0xFFFFFFF0]  }
0x6b: {  	[tilespmem:v22+s13+$0x0] =	vst.idx.add.f32.msk $0xffff, v26  }
0x6c: {  	v26 =	vld.idx.msk [tilespmem:v31+s3+$0x0], $0xffff  }
0x6d: {  	v31 =	vld [tilespmem:s29+$0x0]  }
0x6e: {  	v20 =	vmul.f32 v20, v3;
	v34 =	vld [tilespmem:s29+$0x10]  }
0x6f: {  	v36 =	vadd.s32 $0x2710, v22;
	v35 =	vld [tilespmem:s28+$0xFFFFFFE0];
	v17 =	vmul.f32 v17, v33  }
0x70: {  	v38 =	vadd.s32 $0x4E20, v16;
	v37 =	vld [tilespmem:s28+$0xFFFFFFF0]  }
0x71: {  	v39 =	vld [tilespmem:s28+$0x0]  }
0x72: {  	v26 =	vmul.f32 v26, v30;
	v18 =	vmul.f32 v18, v31;
	v40 =	vld [tilespmem:s28+$0x10]  }
0x73: {  	v32 =	vmul.f32 v32, v34;
	v41 =	vld.idx.msk [tilespmem:v8+s3+$0x0], $0xffff;
	v8 =	vmov v13  }
0x74: {  	v42 =	vadd.s32 $0x2710, v35;
	v43 =	vadd.s32 $0x4E20, v35;
	v44 =	vadd.s32 $0x7530, v35;
	[tilespmem:v36+s13+$0x0] =	vst.idx.add.f32.msk $0xffff, v26  }
0x75: {  	v26 =	vadd.s32 $0x2710, v37;
	v36 =	vadd.s32 $0x4E20, v37;
	v45 =	vadd.s32 $0x7530, v37;
	v38 =	vld.idx.msk [tilespmem:v38+s3+$0x0], $0xffff  }
0x76: {  	v46 =	vadd.s32 $0x2710, v39;
	v13 =	vadd.s32 $0x4E20, v39;
	v47 =	vadd.s32 $0x7530, v39;
	v48 =	vld.idx.msk [tilespmem:v9+s3+$0x0], $0xffff;
	v9 =	vmovc v14  }
0x77: {  	[tilespmem:v35+s13+$0x0] =	vst.idx.add.f32.msk $0xffff, v20;
	v20 =	vadd.s32 $0x2710, v40;
	v14 =	vadd.s32 $0x4E20, v40;
	v35 =	vadd.s32 $0x7530, v40  }
0x78: {  	[tilespmem:v37+s13+$0x0] =	vst.idx.add.f32.msk $0xffff, v17;
	v17 =	vadd.s32 $0x4E20, v22  }
0x79: {  	v16 =	vadd.s32 $0x7530, v16;
	[tilespmem:v39+s13+$0x0] =	vst.idx.add.f32.msk $0xffff, v18;
	v18 =	vmul.f32 v41, v0;
	v0 =	vmov v33  }
0x7a: {  	[tilespmem:v40+s13+$0x0] =	vst.idx.add.f32.msk $0xffff, v32  }
0x7b: {  	v32 =	vmul.f32 v38, v30;
	v27 =	vld.idx.msk [tilespmem:v27+s3+$0x0], $0xffff  }
0x7c: {  	v33 =	vmul.f32 v48, v2;
	v2 =	vmov v31;
	v21 =	vld.idx.msk [tilespmem:v21+s3+$0x0], $0xffff  }
0x7d: {  	[tilespmem:v17+s13+$0x0] =	vst.idx.add.f32.msk $0xffff, v32  }
0x7e: {  	v16 =	vld.idx.msk [tilespmem:v16+s3+$0x0], $0xffff  }
0x7f: {  	v15 =	vld.idx.msk [tilespmem:v15+s3+$0x0], $0xffff  }
0x80: {  	v17 =	vld.idx.msk [tilespmem:v23+s3+$0x0], $0xffff  }
0x81: {  	v22 =	vadd.s32 $0x7530, v22;
	v23 =	vmul.f32 v27, v3;
	v27 =	vld.idx.msk [tilespmem:v10+s3+$0x0], $0xffff;
	v10 =	vmov v25  }
0x82: {  	v21 =	vmul.f32 v21, v0;
	[tilespmem:v5+s13+$0x0] =	vst.idx.add.f32.msk $0xffff, v19;
	v5 =	vmov v44  }
0x83: {  	[tilespmem:v42+s13+$0x0] =	vst.idx.add.f32.msk $0xffff, v23  }
0x84: {  	v16 =	vmul.f32 v16, v30;
	[tilespmem:v26+s13+$0x0] =	vst.idx.add.f32.msk $0xffff, v21  }
0x85: {  	v15 =	vmul.f32 v15, v2;
	v19 =	vld.idx.msk [tilespmem:v28+s3+$0x0], $0xffff  }
0x86: {  	v17 =	vmul.f32 v17, v34;
	[tilespmem:v22+s13+$0x0] =	vst.idx.add.f32.msk $0xffff, v16  }
0x87: {  	[tilespmem:v46+s13+$0x0] =	vst.idx.add.f32.msk $0xffff, v15;
	v15 =	vmul.f32 v27, v1;
	v1 =	vmov v34  }
0x88: {  	[tilespmem:v20+s13+$0x0] =	vst.idx.add.f32.msk $0xffff, v17  }
0x89: {  	v16 =	vld.idx.msk [tilespmem:v11+s3+$0x0], $0xffff  }
0x8a: {  	v12 =	vld.idx.msk [tilespmem:v12+s3+$0x0], $0xffff  }
0x8b: {  	v11 =	vmul.f32 v19, v3;
	v17 =	vld.idx.msk [tilespmem:v24+s3+$0x0], $0xffff  }
0x8c: {  	[tilespmem:v4+s13+$0x0] =	vst.idx.add.f32.msk $0xffff, v18;
	v4 =	vmov v45  }
.Ltmp0:
0x8d: {  	[tilespmem:v43+s13+$0x0] =	vst.idx.add.f32.msk $0xffff, v11;
	(pc) =	sbr.rel @p0 .LBB2_3-.Ltmp0, $4  }
0x8e: {  	v11 =	vld.idx.msk [tilespmem:v29+s3+$0x0], $0xffff  }
0x8f: {  	v16 =	vmul.f32 v16, v0;
	[tilespmem:v6+s13+$0x0] =	vst.idx.add.f32.msk $0xffff, v33;
	v6 =	vmov v47  }
0x90: {  	v12 =	vmul.f32 v12, v2;
	[tilespmem:v7+s13+$0x0] =	vst.idx.add.f32.msk $0xffff, v15;
	v7 =	vmov v35  }
0x91: {  	s31 =	sadd.s32 $0x50, s31;
	v15 =	vmul.f32 v17, v1;
	[tilespmem:v36+s13+$0x0] =	vst.idx.add.f32.msk $0xffff, v16  }
0x92: {  	_ =	sdelay $0x3  }
0x93: {  	[tilespmem:v13+s13+$0x0] =	vst.idx.add.f32.msk $0xffff, v12  }
0x94: {  	v8 =	vld.idx.msk [tilespmem:v8+s3+$0x0], $0xffff  }
0x95: {  	[tilespmem:v14+s13+$0x0] =	vst.idx.add.f32.msk $0xffff, v15  }
0x96: {  	v9 =	vld.idx.msk [tilespmem:v9+s3+$0x0], $0xffff  }
0x97: {  	v10 =	vld.idx.msk [tilespmem:v10+s3+$0x0], $0xffff;
	_ =	sdelay $0x1  }
0x98: {  	p0 =	seq.s32 s26, $0x27;
	v3 =	vmul.f32 v11, v3  }
0x99: {  	s28 =	smul.u32 @!p0 $0x1F40, s26;
	v0 =	vmul.f32 v8, v0  }
0x9a: {  	[tilespmem:v5+s13+$0x0] =	vst.idx.add.f32.msk $0xffff, v3;
	v2 =	vmul.f32 v9, v2  }
0x9b: {  	s28 =	sshrl.u32 @!p0 s28, $0x3;
	v1 =	vmul.f32 v10, v1;
	[tilespmem:v4+s13+$0x0] =	vst.idx.add.f32.msk $0xffff, v0  }
0x9c: {  	s28 =	sadd.s32 @!p0 $0x3E8, s28;
	[tilespmem:v6+s13+$0x0] =	vst.idx.add.f32.msk $0xffff, v2  }
0x9d: {  	s30 =	simm.s32 @!p0 $0x0;
	s31 =	simm.s32 @!p0 $0x13900;
	s29 =	sadd.s32 @!p0 s4, s28;
	[tilespmem:v7+s13+$0x0] =	vst.idx.add.f32.msk $0xffff, v1  }
0x9e: {  	[tilespmem:s31], [sflag:$0x1] =	stream.linear.gather @!p0 [hbm4b:s29+s30], $0xFA0, $0x38;
	[tilespmem:$0x19900] =	vst v63  }
0x9f: {  	s29 =	sadd.s32 @!p0 s5, s28;
	s31 =	simm.s32 @!p0 $0x15900  }
0xa0: {  	[tilespmem:s31], [sflag:$0x1] =	stream.linear.gather @!p0 [hbm4b:s29+s30], $0xFA0, $0x38;
	[tilespmem:$0x19900] =	vst v63  }
0xa1: {  	s28 =	sadd.s32 @!p0 s2, s28;
	s29 =	simm.s32 @!p0 $0x17900  }
0xa2: {  	[tilespmem:s29], [sflag:$0x1] =	stream.linear.gather @!p0 [hbm4b:s28+s30], $0xFA0, $0x38;
	[tilespmem:$0x19900] =	vst v63  }
0xa3: {  	_ =	swait.ge [sflag:s23], $0xFA0  }
0xa4: {  	[sflag:s23] =	ssyncset.done $0x0  }
0xa5: {  	[sflag:s23] =	ssyncadd.s32 $0xFFFFF060  }
0xa6: {  	_ =	swait.ge [sflag:s23], $0xFA0  }
0xa7: {  	[sflag:s23] =	ssyncset.done $0x0  }
0xa8: {  	[sflag:s23] =	ssyncadd.s32 $0xFFFFF060  }
0xa9: {  	_ =	swait.ge [sflag:s23], $0xFA0  }
0xaa: {  	[sflag:s23] =	ssyncset.done $0x0  }
0xab: {  	s28 =	simm.s32 $0x14920;
	[sflag:s23] =	ssyncadd.s32 $0xFFFFF060  }
0xac: {  	v4 =	vld [tilespmem:s28+$0x20]  }
0xad: {  	v5 =	vld [tilespmem:s28+$0xFFFFFFF0]  }
0xae: {  	v7 =	vld [tilespmem:s28+$0x0]  }
0xaf: {  	v6 =	vld [tilespmem:s28+$0xFFFFFFE0]  }
0xb0: {  	s29 =	simm.s32 $0x18920;
	v8 =	vld [tilespmem:s28+$0x10]  }
0xb1: {  	v10 =	vld [tilespmem:s29+$0x20]  }
0xb2: {  	s28 =	simm.s32 $0x16920;
	v3 =	vld [tilespmem:s29+$0xFFFFFFE0]  }
0xb3: {  	v9 =	vld [tilespmem:s28+$0x20]  }
0xb4: {  	v0 =	vld.idx.msk [tilespmem:v4+s3+$0x0], $0xffff  }
0xb5: {  	v16 =	vld [tilespmem:s28+$0xFFFFFFE0]  }
0xb6: {  	v18 =	vld [tilespmem:s28+$0xFFFFFFF0]  }
0xb7: {  	v20 =	vld [tilespmem:s28+$0x0];
	v1 =	vadd.s32 $0x2710, v4  }
0xb8: {  	v21 =	vld [tilespmem:s28+$0x10]  }
0xb9: {  	v11 =	vld.idx.msk [tilespmem:v5+s3+$0x0], $0xffff;
	v2 =	vmul.f32 v0, v10  }
0xba: {  	v13 =	vld.idx.msk [tilespmem:v6+s3+$0x0], $0xffff  }
0xbb: {  	[tilespmem:v9+s13+$0x0] =	vst.idx.add.f32.msk $0xffff, v2  }
0xbc: {  	v15 =	vld.idx.msk [tilespmem:v1+s3+$0x0], $0xffff  }
0xbd: {  	v0 =	vld [tilespmem:s29+$0xFFFFFFF0]  }
0xbe: {  	v17 =	vadd.s32 $0x2710, v9;
	v12 =	vld.idx.msk [tilespmem:v7+s3+$0x0], $0xffff  }
0xbf: {  	v14 =	vld.idx.msk [tilespmem:v8+s3+$0x0], $0xffff;
	v13 =	vmul.f32 v13, v3  }
0xc0: {  	v19 =	vadd.s32 $0x4E20, v4;
	v2 =	vld [tilespmem:s29+$0x0]  }
0xc1: {  	v22 =	vadd.s32 $0x2710, v6;
	[tilespmem:v16+s13+$0x0] =	vst.idx.add.f32.msk $0xffff, v13;
	v15 =	vmul.f32 v15, v10  }
0xc2: {  	v1 =	vld [tilespmem:s29+$0x10];
	v11 =	vmul.f32 v11, v0  }
0xc3: {  	[tilespmem:v17+s13+$0x0] =	vst.idx.add.f32.msk $0xffff, v15;
	v15 =	vadd.s32 $0x2710, v5  }
0xc4: {  	[tilespmem:v18+s13+$0x0] =	vst.idx.add.f32.msk $0xffff, v11  }
0xc5: {  	v12 =	vmul.f32 v12, v2;
	v11 =	vadd.s32 $0x2710, v8;
	v17 =	vld.idx.msk [tilespmem:v19+s3+$0x0], $0xffff  }
0xc6: {  	v13 =	vadd.s32 $0x2710, v7;
	v58 =	vld.idx.msk [tilespmem:v22+s3+$0x0], $0xffff  }
0xc7: {  	[tilespmem:v20+s13+$0x0] =	vst.idx.add.f32.msk $0xffff, v12;
	v12 =	vmul.f32 v14, v1;
	v14 =	vadd.s32 $0x4E20, v9  }
0xc8: {  	v4 =	vadd.s32 $0x7530, v4;
	v15 =	vld.idx.msk [tilespmem:v15+s3+$0x0], $0xffff  }
0xc9: {  	v59 =	vadd.s32 $0x2710, v16;
	[tilespmem:v21+s13+$0x0] =	vst.idx.add.f32.msk $0xffff, v12  }
0xca: {  	v12 =	vadd.s32 $0x2710, v18;
	v11 =	vld.idx.msk [tilespmem:v11+s3+$0x0], $0xffff;
	v17 =	vmul.f32 v17, v10  }
0xcb: {  	v23 =	vadd.s32 $0x4E20, v6;
	v13 =	vld.idx.msk [tilespmem:v13+s3+$0x0], $0xffff  }
0xcc: {  	[tilespmem:v14+s13+$0x0] =	vst.idx.add.f32.msk $0xffff, v17;
	v14 =	vmul.f32 v58, v3;
	v17 =	vadd.s32 $0x2710, v21  }
0xcd: {  	v24 =	vadd.s32 $0x2710, v20;
	v4 =	vld.idx.msk [tilespmem:v4+s3+$0x0], $0xffff;
	v15 =	vmul.f32 v15, v0  }
0xce: {  	v60 =	vadd.s32 $0x4E20, v5;
	[tilespmem:v59+s13+$0x0] =	vst.idx.add.f32.msk $0xffff, v14  }
0xcf: {  	v11 =	vmul.f32 v11, v1;
	v14 =	vadd.s32 $0x4E20, v7;
	[tilespmem:v12+s13+$0x0] =	vst.idx.add.f32.msk $0xffff, v15  }
0xd0: {  	v12 =	vmul.f32 v13, v2;
	v13 =	vadd.s32 $0x4E20, v8;
	v15 =	vld.idx.msk [tilespmem:v23+s3+$0x0], $0xffff  }
0xd1: {  	[tilespmem:v17+s13+$0x0] =	vst.idx.add.f32.msk $0xffff, v11  }
0xd2: {  	v11 =	vadd.s32 $0x4E20, v16;
	[tilespmem:v24+s13+$0x0] =	vst.idx.add.f32.msk $0xffff, v12  }
0xd3: {  	v17 =	vadd.s32 $0x7530, v6;
	v12 =	vld.idx.msk [tilespmem:v60+s3+$0x0], $0xffff  }
0xd4: {  	v9 =	vadd.s32 $0x7530, v9;
	v61 =	vld.idx.msk [tilespmem:v14+s3+$0x0], $0xffff  }
0xd5: {  	v62 =	vadd.s32 $0x4E20, v18;
	v4 =	vmul.f32 v4, v10;
	v63 =	vld.idx.msk [tilespmem:v13+s3+$0x0], $0xffff;
	v10 =	vmul.f32 v15, v3;
	_ =	sdelay $0x1  }
0xd6: {  	v7 =	vadd.s32 $0x7530, v7;
	v8 =	vadd.s32 $0x7530, v8;
	v6 =	vadd.s32 $0x7530, v5;
	[tilespmem:v11+s13+$0x0] =	vst.idx.add.f32.msk $0xffff, v10  }
0xd7: {  	v5 =	vadd.s32 $0x7530, v16;
	v14 =	vadd.s32 $0x4E20, v21;
	v15 =	vmul.f32 v12, v0;
	v11 =	vld.idx.msk [tilespmem:v17+s3+$0x0], $0xffff  }
0xd8: {  	[tilespmem:v9+s13+$0x0] =	vst.idx.add.f32.msk $0xffff, v4;
	v4 =	vadd.s32 $0x7530, v18;
	v9 =	vadd.s32 $0x7530, v20;
	v13 =	vadd.s32 $0x4E20, v20  }
0xd9: {  	s31 =	simm.s32 $0x14970;
	s30 =	simm.s32 $0x0;
	v10 =	vadd.s32 $0x7530, v21;
	v12 =	vmul.f32 v61, v2;
	[tilespmem:v62+s13+$0x0] =	vst.idx.add.f32.msk $0xffff, v15;
	v15 =	vmul.f32 v63, v1  }
.LBB2_5:
0xda: {  	v16 =	vld [tilespmem:s31+$0x20];
	s30 =	sadd.s32 $0x5, s30  }
0xdb: {  	v17 =	vld [tilespmem:s31+$0xFFFFFFF0];
	p1 =	slt.u32 s30, $0xF5  }
0xdc: {  	v19 =	vmul.f32 v11, v3;
	v18 =	vld [tilespmem:s31+$0x0]  }
0xdd: {  	v3 =	vld [tilespmem:s31+$0x10]  }
0xde: {  	v20 =	vld [tilespmem:s31+$0xFFFFFFE0]  }
0xdf: {  	[tilespmem:v13+s13+$0x0] =	vst.idx.add.f32.msk $0xffff, v12  }
0xe0: {  	s28 =	sadd.s32 $0x50, s28;
	v21 =	vadd.s32 $0x2710, v17;
	v11 =	vadd.s32 $0x4E20, v17;
	v13 =	vadd.s32 $0x7530, v17;
	[tilespmem:v14+s13+$0x0] =	vst.idx.add.f32.msk $0xffff, v15  }
0xe1: {  	v15 =	vadd.s32 $0x2710, v18;
	v12 =	vadd.s32 $0x4E20, v18;
	v14 =	vadd.s32 $0x7530, v18;
	v22 =	vld [tilespmem:s28+$0x20]  }
0xe2: {  	s29 =	sadd.s32 $0x50, s29;
	v23 =	vadd.s32 $0x2710, v3;
	v24 =	vadd.s32 $0x4E20, v3;
	v25 =	vadd.s32 $0x7530, v3;
	v26 =	vld.idx.msk [tilespmem:v16+s3+$0x0], $0xffff  }
0xe3: {  	v27 =	vadd.s32 $0x2710, v20;
	v28 =	vadd.s32 $0x4E20, v20;
	v29 =	vadd.s32 $0x7530, v20;
	v30 =	vld [tilespmem:s29+$0x20]  }
0xe4: {  	v17 =	vld.idx.msk [tilespmem:v17+s3+$0x0], $0xffff  }
0xe5: {  	v18 =	vld.idx.msk [tilespmem:v18+s3+$0x0], $0xffff  }
0xe6: {  	v31 =	vadd.s32 $0x2710, v16;
	v20 =	vld.idx.msk [tilespmem:v20+s3+$0x0], $0xffff  }
0xe7: {  	v32 =	vld.idx.msk [tilespmem:v3+s3+$0x0], $0xffff  }
0xe8: {  	v3 =	vld [tilespmem:s29+$0xFFFFFFE0];
	v26 =	vmul.f32 v26, v30  }
0xe9: {  	v33 =	vld [tilespmem:s29+$0xFFFFFFF0]  }
0xea: {  	[tilespmem:v22+s13+$0x0] =	vst.idx.add.f32.msk $0xffff, v26  }
0xeb: {  	v26 =	vld.idx.msk [tilespmem:v31+s3+$0x0], $0xffff  }
0xec: {  	v31 =	vld [tilespmem:s29+$0x0]  }
0xed: {  	v20 =	vmul.f32 v20, v3;
	v34 =	vld [tilespmem:s29+$0x10]  }
0xee: {  	v36 =	vadd.s32 $0x2710, v22;
	v35 =	vld [tilespmem:s28+$0xFFFFFFE0];
	v17 =	vmul.f32 v17, v33  }
0xef: {  	v38 =	vadd.s32 $0x4E20, v16;
	v37 =	vld [tilespmem:s28+$0xFFFFFFF0]  }
0xf0: {  	v39 =	vld [tilespmem:s28+$0x0]  }
0xf1: {  	v26 =	vmul.f32 v26, v30;
	v18 =	vmul.f32 v18, v31;
	v40 =	vld [tilespmem:s28+$0x10]  }
0xf2: {  	v32 =	vmul.f32 v32, v34;
	v41 =	vld.idx.msk [tilespmem:v6+s3+$0x0], $0xffff;
	v6 =	vmov v13  }
0xf3: {  	v42 =	vadd.s32 $0x2710, v35;
	v43 =	vadd.s32 $0x4E20, v35;
	v44 =	vadd.s32 $0x7530, v35;
	[tilespmem:v36+s13+$0x0] =	vst.idx.add.f32.msk $0xffff, v26  }
0xf4: {  	v26 =	vadd.s32 $0x2710, v37;
	v36 =	vadd.s32 $0x4E20, v37;
	v45 =	vadd.s32 $0x7530, v37;
	v38 =	vld.idx.msk [tilespmem:v38+s3+$0x0], $0xffff  }
0xf5: {  	v46 =	vadd.s32 $0x2710, v39;
	v13 =	vadd.s32 $0x4E20, v39;
	v47 =	vadd.s32 $0x7530, v39;
	v48 =	vld.idx.msk [tilespmem:v7+s3+$0x0], $0xffff;
	v7 =	vmovc v14  }
0xf6: {  	[tilespmem:v35+s13+$0x0] =	vst.idx.add.f32.msk $0xffff, v20;
	v20 =	vadd.s32 $0x2710, v40;
	v14 =	vadd.s32 $0x4E20, v40;
	v35 =	vadd.s32 $0x7530, v40  }
0xf7: {  	[tilespmem:v37+s13+$0x0] =	vst.idx.add.f32.msk $0xffff, v17;
	v17 =	vadd.s32 $0x4E20, v22  }
0xf8: {  	v16 =	vadd.s32 $0x7530, v16;
	[tilespmem:v39+s13+$0x0] =	vst.idx.add.f32.msk $0xffff, v18;
	v18 =	vmul.f32 v41, v0;
	v0 =	vmov v33  }
0xf9: {  	[tilespmem:v40+s13+$0x0] =	vst.idx.add.f32.msk $0xffff, v32  }
0xfa: {  	v32 =	vmul.f32 v38, v30;
	v27 =	vld.idx.msk [tilespmem:v27+s3+$0x0], $0xffff  }
0xfb: {  	v33 =	vmul.f32 v48, v2;
	v2 =	vmov v31;
	v21 =	vld.idx.msk [tilespmem:v21+s3+$0x0], $0xffff  }
0xfc: {  	[tilespmem:v17+s13+$0x0] =	vst.idx.add.f32.msk $0xffff, v32  }
0xfd: {  	v16 =	vld.idx.msk [tilespmem:v16+s3+$0x0], $0xffff  }
0xfe: {  	v15 =	vld.idx.msk [tilespmem:v15+s3+$0x0], $0xffff  }
0xff: {  	v17 =	vld.idx.msk [tilespmem:v23+s3+$0x0], $0xffff  }
0x100: {  	v22 =	vadd.s32 $0x7530, v22;
	v23 =	vmul.f32 v27, v3;
	v27 =	vld.idx.msk [tilespmem:v8+s3+$0x0], $0xffff;
	v8 =	vmov v25  }
0x101: {  	v21 =	vmul.f32 v21, v0;
	[tilespmem:v5+s13+$0x0] =	vst.idx.add.f32.msk $0xffff, v19;
	v5 =	vmov v44  }
0x102: {  	[tilespmem:v42+s13+$0x0] =	vst.idx.add.f32.msk $0xffff, v23  }
0x103: {  	v16 =	vmul.f32 v16, v30;
	[tilespmem:v26+s13+$0x0] =	vst.idx.add.f32.msk $0xffff, v21  }
0x104: {  	v15 =	vmul.f32 v15, v2;
	v19 =	vld.idx.msk [tilespmem:v28+s3+$0x0], $0xffff  }
0x105: {  	v17 =	vmul.f32 v17, v34;
	[tilespmem:v22+s13+$0x0] =	vst.idx.add.f32.msk $0xffff, v16  }
0x106: {  	[tilespmem:v46+s13+$0x0] =	vst.idx.add.f32.msk $0xffff, v15;
	v15 =	vmul.f32 v27, v1;
	v1 =	vmov v34  }
0x107: {  	[tilespmem:v20+s13+$0x0] =	vst.idx.add.f32.msk $0xffff, v17  }
0x108: {  	v16 =	vld.idx.msk [tilespmem:v11+s3+$0x0], $0xffff  }
0x109: {  	v12 =	vld.idx.msk [tilespmem:v12+s3+$0x0], $0xffff  }
0x10a: {  	v11 =	vmul.f32 v19, v3;
	v17 =	vld.idx.msk [tilespmem:v24+s3+$0x0], $0xffff  }
0x10b: {  	[tilespmem:v4+s13+$0x0] =	vst.idx.add.f32.msk $0xffff, v18;
	v4 =	vmov v45  }
.Ltmp1:
0x10c: {  	[tilespmem:v43+s13+$0x0] =	vst.idx.add.f32.msk $0xffff, v11;
	(pc) =	sbr.rel @p1 .LBB2_5-.Ltmp1, $4  }
0x10d: {  	v11 =	vld.idx.msk [tilespmem:v29+s3+$0x0], $0xffff  }
0x10e: {  	v16 =	vmul.f32 v16, v0;
	[tilespmem:v9+s13+$0x0] =	vst.idx.add.f32.msk $0xffff, v33;
	v9 =	vmov v47  }
0x10f: {  	v12 =	vmul.f32 v12, v2;
	[tilespmem:v10+s13+$0x0] =	vst.idx.add.f32.msk $0xffff, v15;
	v10 =	vmov v35  }
0x110: {  	s31 =	sadd.s32 $0x50, s31;
	v15 =	vmul.f32 v17, v1;
	[tilespmem:v36+s13+$0x0] =	vst.idx.add.f32.msk $0xffff, v16  }
0x111: {  	_ =	sdelay $0x3  }
0x112: {  	[tilespmem:v13+s13+$0x0] =	vst.idx.add.f32.msk $0xffff, v12  }
0x113: {  	v6 =	vld.idx.msk [tilespmem:v6+s3+$0x0], $0xffff  }
0x114: {  	[tilespmem:v14+s13+$0x0] =	vst.idx.add.f32.msk $0xffff, v15  }
0x115: {  	v7 =	vld.idx.msk [tilespmem:v7+s3+$0x0], $0xffff  }
0x116: {  	v8 =	vld.idx.msk [tilespmem:v8+s3+$0x0], $0xffff;
	_ =	sdelay $0x1  }
0x117: {  	v3 =	vmul.f32 v11, v3  }
.Ltmp2:
0x118: {  	v0 =	vmul.f32 v6, v0;
	(pc) =	sbr.rel @p0 .LBB2_7-.Ltmp2, $4  }
0x119: {  	[tilespmem:v5+s13+$0x0] =	vst.idx.add.f32.msk $0xffff, v3;
	v2 =	vmul.f32 v7, v2  }
0x11a: {  	v1 =	vmul.f32 v8, v1;
	[tilespmem:v4+s13+$0x0] =	vst.idx.add.f32.msk $0xffff, v0  }
0x11b: {  	[tilespmem:v9+s13+$0x0] =	vst.idx.add.f32.msk $0xffff, v2  }
0x11c: {  	[tilespmem:v10+s13+$0x0] =	vst.idx.add.f32.msk $0xffff, v1  }
0x11d: {  	s28 =	smul.u32 $0x1F40, s26;
	_ =	sdelay $0x1  }
0x11e: {  	s28 =	sshrl.u32 s28, $0x3  }
0x11f: {  	s28 =	sadd.s32 $0x5DC, s28  }
0x120: {  	s29 =	sadd.s32 s4, s28  }
0x121: {  	[tilespmem:s17], [sflag:$0x2] =	stream.linear.gather [hbm4b:s29+s3], $0xFA0, $0x38;
	[tilespmem:$0x19900] =	vst v63  }
.Ltmp3:
0x122: {  	_ = 	snop;
	(pc) =	sbr.rel .LBB2_2-.Ltmp3, $4  }
0x123: {  	s31 =	sadd.s32 s5, s28  }
0x124: {  	[tilespmem:s18], [sflag:$0x2] =	stream.linear.gather [hbm4b:s31+s3], $0xFA0, $0x38;
	[tilespmem:$0x19900] =	vst v63  }
0x125: {  	s26 =	sadd.s32 $0x1, s26;
	s28 =	sadd.s32 s2, s28  }
0x126: {  	[tilespmem:s19], [sflag:$0x2] =	stream.linear.gather [hbm4b:s28+s3], $0xFA0, $0x38;
	[tilespmem:$0x19900] =	vst v63  }
.LBB2_7:
0x127: {  	s26 =	simm.s32 $0x9CC0  }
0x128: {  	v3 =	vld [tilespmem:s26+$0x30]  }
0x129: {  	v4 =	vld [tilespmem:s26+$0xFFFFFFD0]  }
0x12a: {  	v5 =	vld [tilespmem:s26+$0xFFFFFFE0]  }
0x12b: {  	v2 =	vld [tilespmem:s26+$0xFFFFFFF0]  }
0x12c: {  	v1 =	vld [tilespmem:s26+$0x0]  }
0x12d: {  	v0 =	vld [tilespmem:s26+$0x10];
	v6 =	vmax.f32 v3, $0.0e+00  }
0x12e: {  	v7 =	vmax.f32 v4, $0.0e+00;
	v3 =	vld [tilespmem:s26+$0x20];
	[tilespmem:s26+$0x30] =	vst v6  }
0x12f: {  	s28 =	simm.s32 $0x0;
	s29 =	simm.s32 $0x9D40;
	v4 =	vld [tilespmem:s26+$0xFFFFFFC0];
	v5 =	vmax.f32 v5, $0.0e+00;
	[tilespmem:s26+$0xFFFFFFD0] =	vst v7  }
.LBB2_8:
0x130: {  	v6 =	vld [tilespmem:s29+$0x30];
	s28 =	sadd.s32 $0x8, s28;
	[tilespmem:s26+$0xFFFFFFE0] =	vst v5;
	v2 =	vmax.f32 v2, $0.0e+00  }
0x131: {  	v5 =	vld [tilespmem:s29+$0xFFFFFFD0];
	p0 =	slt.u32 s28, $0x9B8;
	[tilespmem:s26+$0xFFFFFFF0] =	vst v2;
	v1 =	vmax.f32 v1, $0.0e+00  }
0x132: {  	v7 =	vld [tilespmem:s29+$0xFFFFFFE0];
	[tilespmem:s26+$0x0] =	vst v1;
	v0 =	vmax.f32 v0, $0.0e+00  }
.Ltmp4:
0x133: {  	v2 =	vld [tilespmem:s29+$0xFFFFFFF0];
	[tilespmem:s26+$0x10] =	vst v0;
	v0 =	vmax.f32 v3, $0.0e+00;
	(pc) =	sbr.rel @p0 .LBB2_8-.Ltmp4, $4  }
0x134: {  	v1 =	vld [tilespmem:s29+$0x0];
	v3 =	vmax.f32 v4, $0.0e+00;
	[tilespmem:s26+$0x20] =	vst v0  }
0x135: {  	v0 =	vld [tilespmem:s29+$0x10];
	v4 =	vmax.f32 v6, $0.0e+00;
	[tilespmem:s26+$0xFFFFFFC0] =	vst v3;
	s26 =	smov.u32 s29  }
0x136: {  	s30 =	simm.s32 $0x0;
	v5 =	vmax.f32 v5, $0.0e+00;
	v3 =	vld [tilespmem:s29+$0x20];
	[tilespmem:s29+$0x30] =	vst v4  }
0x137: {  	s29 =	sadd.s32 $0x80, s29;
	v4 =	vld [tilespmem:s26+$0xFFFFFFC0];
	[tilespmem:s26+$0xFFFFFFD0] =	vst v5;
	v5 =	vmax.f32 v7, $0.0e+00  }
0x138: {  	[tilespmem:s26+$0xFFFFFFE0] =	vst v5;
	v2 =	vmax.f32 v2, $0.0e+00  }
0x139: {  	[tilespmem:s26+$0xFFFFFFF0] =	vst v2;
	v1 =	vmax.f32 v1, $0.0e+00  }
0x13a: {  	[tilespmem:s26+$0x0] =	vst v1;
	v0 =	vmax.f32 v0, $0.0e+00  }
0x13b: {  	[tilespmem:s26+$0x10] =	vst v0;
	v62 =	vmax.f32 v3, $0.0e+00  }
0x13c: {  	v63 =	vmax.f32 v4, $0.0e+00;
	[tilespmem:s26+$0x20] =	vst v62  }
0x13d: {  	[tilespmem:s26+$0xFFFFFFC0] =	vst v63  }
.LBB2_10:
0x13e: {  	s26 =	sshra.s32 s30, $0x2  }
0x13f: {  	v0 =	vld [tilespmem:s26+$0x13880]  }
0x140: {  	p0 =	sne.s32 s30, $0xC0  }
.Ltmp5:
0x141: {  	_ = 	snop;
	(pc) =	sbr.rel @p0 .LBB2_10-.Ltmp5, $3  }
0x142: {  	_ =	sdelay $0x1  }
0x143: {  	v0 =	vmax.f32 v0, $0.0e+00  }
0x144: {  	s30 =	sadd.s32 $0x40, s30;
	[tilespmem:s26+$0x13880] =	vst v0  }
0x145: {  	s25 =	sadd.s32 $0x1, s25  }
0x146: {  	p0 =	sne.s32 s25, s12  }
.Ltmp6:
0x147: {  	_ = 	snop;
	(pc) =	sbr.rel @p0 .LBB2_1-.Ltmp6, $4  }
0x148: {  	[hbm4b:s11+s3] =	stream.linear.scatter [tilespmem:s13], [sflag:$0x5], $0x9C40, $0x38;
	[tilespmem:$0x19900] =	vst v63  }
0x149: {  	_ =	swait.ge [sflag:s24], $0x9C40  }
0x14a: {  	[sflag:s24] =	ssyncset.done $0x0  }
0x14b: {  	[sflag:s24] =	ssyncadd.s32 $0xFFFF63C0  }
0x14c: {  	_ =	sfence.sel $0x180000  }
0x14d: {  	[bflag:$0x0] =	sbarrier.arrive $0xFFFF  }
0x14e: {  	p0 =	sne.s32 s0, $0x0;
	_ =	strace $0x90000047  }
0x14f: {  	s0 =	sadd.s32 @!p0 $0x100000, s1;
	[bflag:$0x2] =	sbarrier.arrive $0xFFFF  }
0x150: {  	[sflag:s0] =	ssyncadd.tile.s32 @!p0 $0x1;
	_ =	shalt  }
.Lfunc_end2:
_tile_overlayer_lowered:
.L_overlay_start_2:
0x151: {  	(tag) =	ssettag $0x2  }
0x152: {  	s0 =	rddreg [dreg:$0x0];
	s2 =	stileid.u32  }
0x153: {  	s1 =	rddreg [dreg:$0x1];
	p0 =	sne.s32 s2, $0x0  }
0x154: {  	s3 =	rddreg [dreg:$0x2];
	[bflag:$0x3] =	sbarrier.arrive $0xFFFF;
	s2 =	simm.s32 @!p0 $0x1C05  }
0x155: {  	[timem:s3], [sflag:s2] =	dma.local @!p0 [hbm:s0], s1  }
0x156: {  	s0 =	simm.s32 @!p0 $0x5  }
0x157: {  	_ =	swait.ge @!p0 [sflag:s0], s1  }
0x158: {  	s1 =	ssub.s32 @!p0 $0x0, s1;
	[sflag:s0] =	ssyncset.done @!p0 $0x0  }
0x159: {  	[sflag:s0] =	ssyncadd.s32 @!p0 s1  }
0x15a: {  	[bflag:$0x3] =	sbarrier.arrive $0xFFFF  }
0x15b: {  	_ =	shalt  }

// kernel: kernel.9.cloned.1.call-start
scs
__scs_entry_jumppad:
0x0: {  	(pc) =	sbr.rel $0x88, $3  }
0x1: {  	(tag) =	ssettag $0x0;
	lr =	simm.s32 $0x1  }
0x2: {  	[smem:$0x3F96] =	sst lr;
	_ =	strace $0xD0000000  }
0x3: {  	_ = 	snop  }
0x4: {  	_ = 	snop  }
0x5: {  	_ = 	snop  }
0x6: {  	_ = 	snop  }
0x7: {  	_ = 	snop  }
__scs_overlays_trampoline_lowered:
0x8: {  	[smem:$0x3FA5] =	sst s0  }
0x9: {  	[smem:$0x3FA6] =	sst s1  }
0xa: {  	[smem:$0x3FA7] =	sst s2  }
0xb: {  	[smem:$0x3FA8] =	sst s3  }
0xc: {  	[smem:$0x3FA9] =	sst s4  }
0xd: {  	[smem:$0x3FAA] =	sst s5  }
0xe: {  	[smem:$0x3FAB] =	sst s6  }
0xf: {  	[smem:$0x3FAC] =	sst s7  }
0x10: {  	[smem:$0x3FAD] =	sst s8  }
0x11: {  	[smem:$0x3FAE] =	sst s9;
	s0 =	simm.s32 @!p0 $0x0  }
0x12: {  	s1 =	sld [smem:$0x3F94];
	s0 =	simm.s32 @p0 $0x1  }
0x13: {  	[smem:$0x3FAF] =	sst s0;
	s0 =	simm.s32 @!p1 $0x0  }
0x14: {  	s2 =	sld [smem:$0x3F93];
	s0 =	simm.s32 @p1 $0x1  }
0x15: {  	[smem:$0x3FB0] =	sst s0;
	s0 =	simm.s32 @!p2 $0x0  }
0x16: {  	s3 =	sld [smem:$0x3FDB];
	s0 =	simm.s32 @p2 $0x1  }
0x17: {  	s4 =	simm.s32 $0x1BF5;
	[smem:$0x3FB2] =	sst s0  }
0x18: {  	s0 =	sld [smem:$0x3F95];
	_ =	swait.ge [sflag:s4], $0x0  }
0x19: {  	s7 =	sld [smem:$0x3F96]  }
0x1a: {  	s8 =	sadd.s32 $0xFFFFE003, lr  }
0x1b: {  	s9 =	sadd.s32 $0xFFFFFEF7, lr;
	s5 =	simm.s32 $0xFFFFFFFF;
	p2 =	slt.u32 s8, $0xFFFFF086  }
0x1c: {  	p1 =	slt.u32 s9, $0xF7A;
	s5 =	simm.s32 @!p2 $0x0  }
0x1d: {  	s5 =	simm.s32 @p1 $0x1;
	p0 =	seq.s32 s7, s2  }
0x1e: {  	s7 =	smul.u32 @!p0 $0xF7A, s2;
	p2 =	seq.s32 @!p0 s5, $0x0  }
0x1f: {  	s9 =	smul.u32 $0xF7A, s1;
	s8 =	simm.s32 @!p0 $0x1BF5;
	p2 =	por !p2, p0  }
0x20: {  	[sflag:s8] =	ssyncset.s32 @!p0 $0xFFFFF086;
	s6 =	sadd.s32 @!p0 s3, s7;
	s7 =	simm.s32 @!p0 $0x108  }
0x21: {  	s3 =	sadd.s32 s3, s9;
	s6 =	sadd.s32 @!p0 $0x88, s6;
	s7 =	simm.s32 @p2 $0x1082  }
0x22: {  	[simem:s7], [sflag:s8] =	dma.local @!p0 [hbm:s6], $0xF7A  }
0x23: {  	s9 =	sor.u32 $0xD0000000, s2;
	s6 =	simm.s32 $0x108;
	_ =	swait.ge @!p0 [sflag:s8], $0x0  }
0x24: {  	s3 =	sadd.s32 $0x88, s3;
	s6 =	simm.s32 @!p1 $0x1082;
	[sflag:s4] =	ssyncset.s32 $0xFFFFF086  }
0x25: {  	[simem:s6], [sflag:s4] =	dma.local [hbm:s3], $0xF7A  }
0x26: {  	[smem:$0x3F96] =	sst s1;
	(tag) =	ssettag s2;
	_ =	strace s9  }
0x27: {  	s1 =	sld [smem:$0x3FA6]  }
0x28: {  	s2 =	sld [smem:$0x3FA7]  }
0x29: {  	s4 =	sld [smem:$0x3FA9]  }
0x2a: {  	p0 =	seq.s32 s5, $0x0;
	s5 =	sld [smem:$0x3FAA]  }
0x2b: {  	s6 =	sld [smem:$0x3FAB]  }
0x2c: {  	s7 =	sld [smem:$0x3FAC]  }
0x2d: {  	s3 =	simm.s32 $0x108;
	s8 =	sld [smem:$0x3FAD]  }
0x2e: {  	s3 =	simm.s32 @!p0 $0x1082;
	s9 =	sld [smem:$0x3FAE]  }
0x2f: {  	lr =	sadd.s32 s0, s3;
	s0 =	sld [smem:$0x3FA5]  }
0x30: {  	s3 =	sld [smem:$0x3FA8]  }
0x31: {  	[smem:$0x3FB1] =	sst s10  }
0x32: {  	s10 =	sld [smem:$0x3FAF];
	_ =	sdelay $0x3  }
0x33: {  	p0 =	seq.s32 s10, $0x1;
	s10 =	sld [smem:$0x3FB1];
	_ =	sdelay $0x3  }
0x34: {  	[smem:$0x3FB1] =	sst s10  }
0x35: {  	s10 =	sld [smem:$0x3FB0];
	_ =	sdelay $0x3  }
0x36: {  	p1 =	seq.s32 s10, $0x1;
	s10 =	sld [smem:$0x3FB1];
	_ =	sdelay $0x3  }
0x37: {  	[smem:$0x3FB1] =	sst s10  }
0x38: {  	s10 =	sld [smem:$0x3FB2]  }
0x39: {  	_ = 	snop;
	(pc) =	sbr.ind lr, $3  }
0x3a: {  	_ = 	snop  }
0x3b: {  	_ = 	snop  }
0x3c: {  	p2 =	seq.s32 s10, $0x1;
	s10 =	sld [smem:$0x3FB1]  }
0x3d: {  	_ =	shalt  }
0x3e: {  	_ =	shalt  }
0x3f: {  	_ =	shalt  }
0x40: {  	_ =	shalt  }
0x41: {  	_ =	shalt  }
0x42: {  	_ =	shalt  }
0x43: {  	_ =	shalt  }
0x44: {  	_ =	shalt  }
0x45: {  	_ =	shalt  }
0x46: {  	_ =	shalt  }
0x47: {  	_ =	shalt  }
0x48: {  	_ =	shalt  }
0x49: {  	_ =	shalt  }
0x4a: {  	_ =	shalt  }
0x4b: {  	_ =	shalt  }
0x4c: {  	_ =	shalt  }
0x4d: {  	_ =	shalt  }
0x4e: {  	_ =	shalt  }
0x4f: {  	_ =	shalt  }
0x50: {  	_ =	shalt  }
0x51: {  	_ =	shalt  }
0x52: {  	_ =	shalt  }
0x53: {  	_ =	shalt  }
0x54: {  	_ =	shalt  }
0x55: {  	_ =	shalt  }
0x56: {  	_ =	shalt  }
0x57: {  	_ =	shalt  }
0x58: {  	_ =	shalt  }
0x59: {  	_ =	shalt  }
0x5a: {  	_ =	shalt  }
0x5b: {  	_ =	shalt  }
0x5c: {  	_ =	shalt  }
0x5d: {  	_ =	shalt  }
0x5e: {  	_ =	shalt  }
0x5f: {  	_ =	shalt  }
0x60: {  	_ =	shalt  }
0x61: {  	_ =	shalt  }
0x62: {  	_ =	shalt  }
0x63: {  	_ =	shalt  }
0x64: {  	_ =	shalt  }
0x65: {  	_ =	shalt  }
0x66: {  	_ =	shalt  }
0x67: {  	_ =	shalt  }
0x68: {  	_ =	shalt  }
0x69: {  	_ =	shalt  }
0x6a: {  	_ =	shalt  }
0x6b: {  	_ =	shalt  }
0x6c: {  	_ =	shalt  }
0x6d: {  	_ =	shalt  }
0x6e: {  	_ =	shalt  }
0x6f: {  	_ =	shalt  }
0x70: {  	_ =	shalt  }
0x71: {  	_ =	shalt  }
0x72: {  	_ =	shalt  }
0x73: {  	_ =	shalt  }
0x74: {  	_ =	shalt  }
0x75: {  	_ =	shalt  }
0x76: {  	_ =	shalt  }
0x77: {  	_ =	shalt  }
0x78: {  	_ =	shalt  }
0x79: {  	_ =	shalt  }
0x7a: {  	_ =	shalt  }
0x7b: {  	_ =	shalt  }
0x7c: {  	_ =	shalt  }
0x7d: {  	_ =	shalt  }
0x7e: {  	_ =	shalt  }
0x7f: {  	_ =	shalt  }
0x80: {  	_ =	shalt  }
0x81: {  	_ =	shalt  }
0x82: {  	_ =	shalt  }
0x83: {  	_ =	shalt  }
0x84: {  	_ =	shalt  }
0x85: {  	_ =	shalt  }
0x86: {  	_ =	shalt  }
0x87: {  	_ =	shalt  }
.Lfunc_end0:
.L_simem_size_0:
called_computation.1_lowered:
.L_overlay_start_0:
0x88: {  	s2 =	sld [smem:$0x3FD9]  }
0x89: {  	s3 =	sld [smem:$0x3FFE];
	_ =	sdelay $0x1  }
0x8a: {  	s1 =	srdreg.scid  }
0x8b: {  	s0 =	sand.u32 $0x1, s1  }
0x8c: {  	s17 =	sshll.u32 s0, $0xA;
	s2 =	sadd.s32 s3, s2  }
0x8d: {  	s2 =	sadd.s32 s2, s17  }
0x8e: {  	[smem:$0x3FBD] =	sst s2  }
0x8f: {  	_ = 	snop  }
0x90: {  	s2 =	sld [smem:$0x3FC5]  }
0x91: {  	s18 =	sld [smem:$0x3FC0];
	(tm) =	ssettm $0x1  }
0x92: {  	s4 =	sld [smem:$0x3FFB];
	_ =	sdelay $0x3  }
0x93: {  	_ =	strace s4  }
0x94: {  	s4 =	sld [smem:$0x3FFC];
	_ =	sdelay $0x3  }
0x95: {  	_ =	strace s4  }
0x96: {  	s4 =	sld [smem:$0x3FFD];
	_ =	sdelay $0x3  }
0x97: {  	_ =	strace s4  }
0x98: {  	_ =	strace $0x8FFFFFFF  }
0x99: {  	s19 =	sld [smem:$0x3FDB];
	_ =	sdelay $0x1  }
0x9a: {  	s5 =	simm.s32 $_scs_section_size  }
0x9b: {  	s6 =	simm.s32 $_size__tile_overlayer_lowered;
	s7 =	simm.s32 $_tile_overlayer_lowered  }
0x9c: {  	s22 =	simm.s32 $0x1BFF;
	s21 =	sshll.u32 s7, $0x1;
	s4 =	sadd.s32 s5, s19  }
0x9d: {  	s8 =	simm.s32 $0x0;
	s20 =	sshll.u32 s6, $0x1;
	s6 =	sadd.s32 s21, s4  }
0x9e: {  	[timem:s8], [sflag:s22] =	dma.local [hbm:s6], s20  }
0x9f: {  	_ =	swait.ge [sflag:s22], s20  }
0xa0: {  	s5 =	ssub.s32 $0x0, s20;
	[sflag:s22] =	ssyncset.done $0x0  }
0xa1: {  	[sflag:s22] =	ssyncadd.s32 s5;
	_ =	sdelay $0x1  }
0xa2: {  	s23 =	simm.s32 $0x1B8B  }
0xa3: {  	_ =	swait.ge [sflag:s23], $0x1  }
0xa4: {  	[sflag:s23] =	ssyncset.done $0x0  }
0xa5: {  	s25 =	simm.s32 $0x1B8E;
	s24 =	sld [smem:$0x3FFE];
	[sflag:s23] =	ssyncadd.s32 $0xFFFFFFFF  }
0xa6: {  	s26 =	simm.s32 $execute0_lowered;
	[smem:$0x3FD2] =	sst s25  }
0xa7: {  	s6 =	sshll.u32 s26, $0x1;
	_ =	strace $0x80000049;
	[dreg:$0x1] =	wrdreg $0xFFFFFFFF  }
0xa8: {  	s28 =	simm.s32 $_size_execute0_lowered;
	s4 =	sadd.s32 s4, s6;
	[dreg:$0x0] =	wrdreg $0x0  }
0xa9: {  	s6 =	sshll.u32 s28, $0x1;
	[dreg:$0x2] =	wrdreg s4  }
0xaa: {  	[dreg:$0x3] =	wrdreg s6  }
0xab: {  	[dreg:$0x4] =	wrdreg $0xC0  }
0xac: {  	_ =	task [dreg:s8], $0x5FFFF  }
0xad: {  	[dreg:$0x1] =	wrdreg $0xFFFFFFFF  }
0xae: {  	[dreg:$0x0] =	wrdreg $0x60  }
0xaf: {  	[dreg:$0x2] =	wrdreg s24  }
0xb0: {  	[dreg:$0x3] =	wrdreg s2  }
0xb1: {  	[dreg:$0x4] =	wrdreg s18  }
0xb2: {  	[dreg:$0x5] =	wrdreg $0x9  }
0xb3: {  	_ =	task.clear_ibuf [dreg:s8], $0x6FFFF;
	_ =	strace $0x90000049  }
0xb4: {  	s29 =	simm.s32 $0x9;
	_ =	strace $0x8000004B  }
0xb5: {  	_ =	swait.ge [sflag:s29], $0x1  }
0xb6: {  	[sflag:s29] =	ssyncadd.s32 $0xFFFFFFFF  }
0xb7: {  	_ =	strace $0x9000004B  }
0xb8: {  	_ =	sfence  }
0xb9: {  	s30 =	sld [smem:$0x0];
	_ =	sdelay $0x2  }
0xba: {  	s31 =	sshll.u32 s1, $0xD;
	s1 =	sshrl.u32 s1, $0x2  }
0xbb: {  	s3 =	sand.u32 $0x4000, s31;
	s1 =	sadd.s32 s1, s30  }
0xbc: {  	s0 =	sor.u32 s3, s0;
	s1 =	sshll.u32 s1, $0x11  }
0xbd: {  	s0 =	sor.u32 s1, s0  }
0xbe: {  	s0 =	sadd.s32 $0x8F2B, s0  }
0xbf: {  	[sflag:s0] =	ssyncadd.remote.s32 $0x1  }
0xc0: {  	_ =	sfence.sel $0xFFFF  }
0xc1: {  	[dreg:$0x0] =	wrdreg $0xFFFFFFFF;
	(pc) =	sbr.abs _section_cstart, $3  }
0xc2: {  	[dreg:$0x1] =	wrdreg $0xFFFFFFFF  }
0xc3: {  	_ =	task.clear_ibuf [dreg:s8], $0x2FFFF;
	_ =	strace $0x9FFFFFFF  }
0xc4: {  	(tm) =	ssettm $0x7FFFFFFF  }
0xc5: {  	_ =	shalt  }
tec
execute0_lowered:
.L_overlay_start_1:
0x0: {  	(tag) =	ssettag $0x1  }
0x1: {  	s0 =	srdreg.scid  }
0x2: {  	s2 =	stileid.u32;
	s1 =	rddreg [dreg:$0x0]  }
0x3: {  	s4 =	simm.s32 $0x0;
	s17 =	simm.s32 $0x9C80;
	s20 =	simm.s32 $0x17900  }
0x4: {  	s21 =	simm.s32 $0x14900;
	s22 =	simm.s32 $0x16900;
	s23 =	simm.s32 $0x18900  }
0x5: {  	s24 =	simm.s32 $0x3;
	s25 =	simm.s32 $0x4;
	s28 =	simm.s32 $0x2  }
0x6: {  	s29 =	simm.s32 $0x5;
	s3 =	sshll.u32 s2, $0x1;
	s2 =	rddreg [dreg:$0x1]  }
0x7: {  	s30 =	simm.s32 $0x0;
	s0 =	sand.u32 $0x1, s0;
	[smem:$0x7FF] =	sst s4  }
0x8: {  	s5 =	sadd.s32 $0x93200, s1;
	s6 =	sor.u32 s0, s3;
	s3 =	rddreg [dreg:$0x2]  }
0x9: {  	_ =	strace $0x8000004A;
	s0 =	ssub.s32 $0x2, s0;
	s12 =	sadd.s32 $0x1F4, s2  }
0xa: {  	s7 =	smul.u32 $0x9C40, s6;
	s10 =	sshll.u32 s6, $0x1;
	s26 =	sshrl.u32 s0, $0x1  }
0xb: {  	s6 =	sadd.s32 $0x89400, s1;
	s15 =	sadd.s32 s10, s1;
	s0 =	ssub.s32 s0, s26  }
.Ltmp0:
0xc: {  	s10 =	sadd.s32 $0x895F4, s1;
	s8 =	sshrl.u32 s7, $0x3;
	(pc) =	sbr.rel .LBB2_1-.Ltmp0, $4  }
0xd: {  	s26 =	simm.s32 $0x1;
	s14 =	sadd.s32 $0x1F40, s7;
	s9 =	sadd.s32 s8, s1  }
0xe: {  	s15 =	sadd.s32 $0x4E600, s15;
	s16 =	smax.u32 s0, $0x1;
	s31 =	sadd.s32 $0x200, s9  }
0xf: {  	s11 =	sadd.s32 s3, s8;
	s9 =	sadd.s32 $0x27400, s9;
	[dreg:$0x4] =	wrdreg s31  }
0x10: {  	s13 =	sadd.s32 $0x1F4, s11;
	[dreg:$0x5] =	wrdreg s9;
	s9 =	sadd.s32 $0x933F4, s1  }
.LBB2_15:
0x11: {  	s30 =	sadd.s32 $0x1, s30  }
0x12: {  	p0 =	sne.s32 s30, s16  }
.Ltmp1:
0x13: {  	[tilespmem:$0x0] =	vst v0;
	(pc) =	sbr.rel @!p0 .LBB2_16-.Ltmp1, $4  }
0x14: {  	[hbm4b:s15+s4] =	stream.linear.scatter [tilespmem:s4], [sflag:$0x5], $0x10, $0x38;
	[tilespmem:$0x19900] =	vst v63  }
0x15: {  	_ =	swait.ge [sflag:s29], $0x10  }
0x16: {  	[sflag:s29] =	ssyncset.done $0x0  }
0x17: {  	s20 =	simm.s32 $0x17900;
	[sflag:s29] =	ssyncadd.s32 $0xFFFFFFF0  }
.LBB2_1:
0x18: {  	s0 =	rddreg [dreg:$0x4]  }
0x19: {  	[tilespmem:s4], [sflag:$0x3] =	stream.linear.gather [hbm4b:s0+s4], $0x9C40, $0x38;
	[tilespmem:$0x19900] =	vst v63  }
0x1a: {  	s8 =	rddreg [dreg:$0x5]  }
0x1b: {  	[tilespmem:s17], [sflag:$0x4] =	stream.linear.gather [hbm4b:s8+s4], $0x9C40, $0x38;
	[tilespmem:$0x19900] =	vst v63  }
0x1c: {  	s18 =	simm.s32 $0x13900  }
0x1d: {  	[tilespmem:s18], [sflag:$0x1] =	stream.linear.gather [hbm4b:s5+s4], $0xFA0, $0x38;
	[tilespmem:$0x19900] =	vst v63  }
0x1e: {  	s19 =	simm.s32 $0x15900  }
0x1f: {  	[tilespmem:s19], [sflag:$0x1] =	stream.linear.gather [hbm4b:s6+s4], $0xFA0, $0x38;
	[tilespmem:$0x19900] =	vst v63  }
0x20: {  	_ = 	snop  }
0x21: {  	[tilespmem:s20], [sflag:$0x1] =	stream.linear.gather [hbm4b:s2+s4], $0xFA0, $0x38;
	[tilespmem:$0x19900] =	vst v63  }
0x22: {  	_ = 	snop  }
0x23: {  	[tilespmem:s21], [sflag:$0x2] =	stream.linear.gather [hbm4b:s9+s4], $0xFA0, $0x38;
	[tilespmem:$0x19900] =	vst v63  }
0x24: {  	_ = 	snop  }
0x25: {  	[tilespmem:s22], [sflag:$0x2] =	stream.linear.gather [hbm4b:s10+s4], $0xFA0, $0x38;
	[tilespmem:$0x19900] =	vst v63  }
0x26: {  	_ = 	snop  }
0x27: {  	[tilespmem:s23], [sflag:$0x2] =	stream.linear.gather [hbm4b:s12+s4], $0xFA0, $0x38;
	[tilespmem:$0x19900] =	vst v63  }
0x28: {  	_ =	swait.ge [sflag:s24], $0x9C40  }
0x29: {  	[sflag:s24] =	ssyncset.done $0x0  }
0x2a: {  	[sflag:s24] =	ssyncadd.s32 $0xFFFF63C0  }
0x2b: {  	_ =	swait.ge [sflag:s25], $0x9C40  }
0x2c: {  	[sflag:s25] =	ssyncset.done $0x0  }
0x2d: {  	s31 =	simm.s32 $0x0;
	[sflag:s25] =	ssyncadd.s32 $0xFFFF63C0  }
.LBB2_2:
0x2e: {  	_ =	swait.ge [sflag:s26], $0xFA0  }
0x2f: {  	[sflag:s26] =	ssyncset.done $0x0  }
0x30: {  	[sflag:s26] =	ssyncadd.s32 $0xFFFFF060  }
0x31: {  	_ =	swait.ge [sflag:s26], $0xFA0  }
0x32: {  	[sflag:s26] =	ssyncset.done $0x0  }
0x33: {  	[sflag:s26] =	ssyncadd.s32 $0xFFFFF060  }
0x34: {  	_ =	swait.ge [sflag:s26], $0xFA0  }
0x35: {  	[sflag:s26] =	ssyncset.done $0x0  }
0x36: {  	s0 =	simm.s32 $0x13920;
	[sflag:s26] =	ssyncadd.s32 $0xFFFFF060  }
0x37: {  	v4 =	vld [tilespmem:s0+$0x20]  }
0x38: {  	v5 =	vld [tilespmem:s0+$0xFFFFFFF0]  }
0x39: {  	v6 =	vld [tilespmem:s0+$0x0]  }
0x3a: {  	v7 =	vld [tilespmem:s0+$0xFFFFFFE0]  }
0x3b: {  	s1 =	simm.s32 $0x15920;
	v10 =	vld [tilespmem:s0+$0x10]  }
0x3c: {  	v8 =	vld [tilespmem:s1+$0x20]  }
0x3d: {  	s0 =	simm.s32 $0x17920;
	v16 =	vld [tilespmem:s1+$0xFFFFFFE0]  }
0x3e: {  	v9 =	vld [tilespmem:s0+$0x20]  }
0x3f: {  	v0 =	vld.idx.msk [tilespmem:v4+s4+$0x0], $0xffff  }
0x40: {  	v18 =	vld [tilespmem:s1+$0xFFFFFFF0]  }
0x41: {  	v20 =	vld [tilespmem:s1+$0x0]  }
0x42: {  	v21 =	vld [tilespmem:s1+$0x10];
	v1 =	vadd.s32 $0x2710, v4  }
0x43: {  	v3 =	vld [tilespmem:s0+$0xFFFFFFE0]  }
0x44: {  	v11 =	vld.idx.msk [tilespmem:v5+s4+$0x0], $0xffff;
	v2 =	vmul.f32 v0, v9  }
0x45: {  	v13 =	vld.idx.msk [tilespmem:v7+s4+$0x0], $0xffff  }
0x46: {  	[tilespmem:v8+s17+$0x0] =	vst.idx.add.f32.msk $0xffff, v2  }
0x47: {  	v15 =	vld.idx.msk [tilespmem:v1+s4+$0x0], $0xffff  }
0x48: {  	v0 =	vld [tilespmem:s0+$0xFFFFFFF0]  }
0x49: {  	v17 =	vadd.s32 $0x2710, v8;
	v12 =	vld.idx.msk [tilespmem:v6+s4+$0x0], $0xffff  }
0x4a: {  	v14 =	vld.idx.msk [tilespmem:v10+s4+$0x0], $0xffff;
	v13 =	vmul.f32 v13, v3  }
0x4b: {  	v19 =	vadd.s32 $0x4E20, v4;
	v2 =	vld [tilespmem:s0+$0x0]  }
0x4c: {  	v22 =	vadd.s32 $0x2710, v7;
	[tilespmem:v16+s17+$0x0] =	vst.idx.add.f32.msk $0xffff, v13;
	v15 =	vmul.f32 v15, v9  }
0x4d: {  	v1 =	vld [tilespmem:s0+$0x10];
	v11 =	vmul.f32 v11, v0  }
0x4e: {  	[tilespmem:v17+s17+$0x0] =	vst.idx.add.f32.msk $0xffff, v15;
	v15 =	vadd.s32 $0x2710, v5  }
0x4f: {  	[tilespmem:v18+s17+$0x0] =	vst.idx.add.f32.msk $0xffff, v11  }
0x50: {  	v12 =	vmul.f32 v12, v2;
	v11 =	vadd.s32 $0x2710, v10;
	v17 =	vld.idx.msk [tilespmem:v19+s4+$0x0], $0xffff  }
0x51: {  	v13 =	vadd.s32 $0x2710, v6;
	v58 =	vld.idx.msk [tilespmem:v22+s4+$0x0], $0xffff  }
0x52: {  	[tilespmem:v20+s17+$0x0] =	vst.idx.add.f32.msk $0xffff, v12;
	v12 =	vmul.f32 v14, v1;
	v14 =	vadd.s32 $0x4E20, v8  }
0x53: {  	v4 =	vadd.s32 $0x7530, v4;
	v15 =	vld.idx.msk [tilespmem:v15+s4+$0x0], $0xffff  }
0x54: {  	v59 =	vadd.s32 $0x2710, v16;
	[tilespmem:v21+s17+$0x0] =	vst.idx.add.f32.msk $0xffff, v12  }
0x55: {  	v12 =	vadd.s32 $0x2710, v18;
	v11 =	vld.idx.msk [tilespmem:v11+s4+$0x0], $0xffff;
	v17 =	vmul.f32 v17, v9  }
0x56: {  	v23 =	vadd.s32 $0x4E20, v7;
	v13 =	vld.idx.msk [tilespmem:v13+s4+$0x0], $0xffff  }
0x57: {  	[tilespmem:v14+s17+$0x0] =	vst.idx.add.f32.msk $0xffff, v17;
	v14 =	vmul.f32 v58, v3;
	v17 =	vadd.s32 $0x2710, v21  }
0x58: {  	v60 =	vadd.s32 $0x4E20, v5;
	v4 =	vld.idx.msk [tilespmem:v4+s4+$0x0], $0xffff;
	v15 =	vmul.f32 v15, v0  }
0x59: {  	v24 =	vadd.s32 $0x2710, v20;
	[tilespmem:v59+s17+$0x0] =	vst.idx.add.f32.msk $0xffff, v14  }
0x5a: {  	v11 =	vmul.f32 v11, v1;
	v14 =	vadd.s32 $0x4E20, v6;
	[tilespmem:v12+s17+$0x0] =	vst.idx.add.f32.msk $0xffff, v15  }
0x5b: {  	v12 =	vmul.f32 v13, v2;
	v13 =	vadd.s32 $0x4E20, v10;
	v15 =	vld.idx.msk [tilespmem:v23+s4+$0x0], $0xffff  }
0x5c: {  	[tilespmem:v17+s17+$0x0] =	vst.idx.add.f32.msk $0xffff, v11  }
0x5d: {  	v11 =	vadd.s32 $0x4E20, v16;
	v17 =	vld.idx.msk [tilespmem:v60+s4+$0x0], $0xffff  }
0x5e: {  	v7 =	vadd.s32 $0x7530, v7;
	[tilespmem:v24+s17+$0x0] =	vst.idx.add.f32.msk $0xffff, v12  }
0x5f: {  	v12 =	vadd.s32 $0x7530, v8;
	v61 =	vld.idx.msk [tilespmem:v14+s4+$0x0], $0xffff  }
0x60: {  	v62 =	vadd.s32 $0x4E20, v18;
	v63 =	vld.idx.msk [tilespmem:v13+s4+$0x0], $0xffff;
	v13 =	vmul.f32 v15, v3  }
0x61: {  	v10 =	vadd.s32 $0x7530, v10  }
0x62: {  	v4 =	vmul.f32 v4, v9;
	v8 =	vadd.s32 $0x7530, v5;
	v9 =	vadd.s32 $0x7530, v6;
	[tilespmem:v11+s17+$0x0] =	vst.idx.add.f32.msk $0xffff, v13  }
0x63: {  	v5 =	vadd.s32 $0x7530, v16;
	v6 =	vadd.s32 $0x7530, v20;
	v15 =	vmul.f32 v17, v0;
	v11 =	vld.idx.msk [tilespmem:v7+s4+$0x0], $0xffff  }
0x64: {  	v14 =	vadd.s32 $0x4E20, v21;
	[tilespmem:v12+s17+$0x0] =	vst.idx.add.f32.msk $0xffff, v4;
	v4 =	vadd.s32 $0x7530, v18;
	v13 =	vadd.s32 $0x4E20, v20  }
0x65: {  	s18 =	simm.s32 $0x0;
	s19 =	simm.s32 $0x13970;
	v7 =	vadd.s32 $0x7530, v21;
	v12 =	vmul.f32 v61, v2;
	[tilespmem:v62+s17+$0x0] =	vst.idx.add.f32.msk $0xffff, v15;
	v15 =	vmul.f32 v63, v1  }
.LBB2_3:
0x66: {  	v16 =	vld [tilespmem:s19+$0x20];
	s18 =	sadd.s32 $0x5, s18  }
0x67: {  	v17 =	vld [tilespmem:s19+$0xFFFFFFF0];
	p0 =	slt.u32 s18, $0xF5  }
0x68: {  	v19 =	vmul.f32 v11, v3;
	v18 =	vld [tilespmem:s19+$0x0]  }
0x69: {  	v3 =	vld [tilespmem:s19+$0x10]  }
0x6a: {  	v20 =	vld [tilespmem:s19+$0xFFFFFFE0]  }
0x6b: {  	[tilespmem:v13+s17+$0x0] =	vst.idx.add.f32.msk $0xffff, v12  }
0x6c: {  	s1 =	sadd.s32 $0x50, s1;
	v21 =	vadd.s32 $0x2710, v17;
	v11 =	vadd.s32 $0x4E20, v17;
	v13 =	vadd.s32 $0x7530, v17;
	[tilespmem:v14+s17+$0x0] =	vst.idx.add.f32.msk $0xffff, v15  }
0x6d: {  	v15 =	vadd.s32 $0x2710, v18;
	v12 =	vadd.s32 $0x4E20, v18;
	v14 =	vadd.s32 $0x7530, v18;
	v22 =	vld [tilespmem:s1+$0x20]  }
0x6e: {  	s0 =	sadd.s32 $0x50, s0;
	v23 =	vadd.s32 $0x2710, v3;
	v24 =	vadd.s32 $0x4E20, v3;
	v25 =	vadd.s32 $0x7530, v3;
	v26 =	vld.idx.msk [tilespmem:v16+s4+$0x0], $0xffff  }
0x6f: {  	v27 =	vadd.s32 $0x2710, v20;
	v28 =	vadd.s32 $0x4E20, v20;
	v29 =	vadd.s32 $0x7530, v20;
	v30 =	vld [tilespmem:s0+$0x20]  }
0x70: {  	v17 =	vld.idx.msk [tilespmem:v17+s4+$0x0], $0xffff  }
0x71: {  	v18 =	vld.idx.msk [tilespmem:v18+s4+$0x0], $0xffff  }
0x72: {  	v31 =	vadd.s32 $0x2710, v16;
	v20 =	vld.idx.msk [tilespmem:v20+s4+$0x0], $0xffff  }
0x73: {  	v32 =	vld.idx.msk [tilespmem:v3+s4+$0x0], $0xffff  }
0x74: {  	v3 =	vld [tilespmem:s0+$0xFFFFFFE0];
	v26 =	vmul.f32 v26, v30  }
0x75: {  	v33 =	vld [tilespmem:s0+$0xFFFFFFF0]  }
0x76: {  	[tilespmem:v22+s17+$0x0] =	vst.idx.add.f32.msk $0xffff, v26  }
0x77: {  	v26 =	vld.idx.msk [tilespmem:v31+s4+$0x0], $0xffff  }
0x78: {  	v31 =	vld [tilespmem:s0+$0x0]  }
0x79: {  	v20 =	vmul.f32 v20, v3;
	v34 =	vld [tilespmem:s0+$0x10]  }
0x7a: {  	v36 =	vadd.s32 $0x2710, v22;
	v35 =	vld [tilespmem:s1+$0xFFFFFFE0];
	v17 =	vmul.f32 v17, v33  }
0x7b: {  	v38 =	vadd.s32 $0x4E20, v16;
	v37 =	vld [tilespmem:s1+$0xFFFFFFF0]  }
0x7c: {  	v39 =	vld [tilespmem:s1+$0x0]  }
0x7d: {  	v26 =	vmul.f32 v26, v30;
	v18 =	vmul.f32 v18, v31;
	v40 =	vld [tilespmem:s1+$0x10]  }
0x7e: {  	v32 =	vmul.f32 v32, v34;
	v41 =	vld.idx.msk [tilespmem:v8+s4+$0x0], $0xffff;
	v8 =	vmov v13  }
0x7f: {  	v42 =	vadd.s32 $0x2710, v35;
	v43 =	vadd.s32 $0x4E20, v35;
	v44 =	vadd.s32 $0x7530, v35;
	[tilespmem:v36+s17+$0x0] =	vst.idx.add.f32.msk $0xffff, v26  }
0x80: {  	v26 =	vadd.s32 $0x2710, v37;
	v36 =	vadd.s32 $0x4E20, v37;
	v45 =	vadd.s32 $0x7530, v37;
	v38 =	vld.idx.msk [tilespmem:v38+s4+$0x0], $0xffff  }
0x81: {  	v46 =	vadd.s32 $0x2710, v39;
	v13 =	vadd.s32 $0x4E20, v39;
	v47 =	vadd.s32 $0x7530, v39;
	v48 =	vld.idx.msk [tilespmem:v9+s4+$0x0], $0xffff;
	v9 =	vmovc v14  }
0x82: {  	[tilespmem:v35+s17+$0x0] =	vst.idx.add.f32.msk $0xffff, v20;
	v20 =	vadd.s32 $0x2710, v40;
	v14 =	vadd.s32 $0x4E20, v40;
	v35 =	vadd.s32 $0x7530, v40  }
0x83: {  	[tilespmem:v37+s17+$0x0] =	vst.idx.add.f32.msk $0xffff, v17;
	v17 =	vadd.s32 $0x4E20, v22  }
0x84: {  	v16 =	vadd.s32 $0x7530, v16;
	[tilespmem:v39+s17+$0x0] =	vst.idx.add.f32.msk $0xffff, v18;
	v18 =	vmul.f32 v41, v0;
	v0 =	vmov v33  }
0x85: {  	[tilespmem:v40+s17+$0x0] =	vst.idx.add.f32.msk $0xffff, v32  }
0x86: {  	v32 =	vmul.f32 v38, v30;
	v27 =	vld.idx.msk [tilespmem:v27+s4+$0x0], $0xffff  }
0x87: {  	v33 =	vmul.f32 v48, v2;
	v2 =	vmov v31;
	v21 =	vld.idx.msk [tilespmem:v21+s4+$0x0], $0xffff  }
0x88: {  	[tilespmem:v17+s17+$0x0] =	vst.idx.add.f32.msk $0xffff, v32  }
0x89: {  	v16 =	vld.idx.msk [tilespmem:v16+s4+$0x0], $0xffff  }
0x8a: {  	v15 =	vld.idx.msk [tilespmem:v15+s4+$0x0], $0xffff  }
0x8b: {  	v17 =	vld.idx.msk [tilespmem:v23+s4+$0x0], $0xffff  }
0x8c: {  	v22 =	vadd.s32 $0x7530, v22;
	v23 =	vmul.f32 v27, v3;
	v27 =	vld.idx.msk [tilespmem:v10+s4+$0x0], $0xffff;
	v10 =	vmov v25  }
0x8d: {  	v21 =	vmul.f32 v21, v0;
	[tilespmem:v5+s17+$0x0] =	vst.idx.add.f32.msk $0xffff, v19;
	v5 =	vmov v44  }
0x8e: {  	[tilespmem:v42+s17+$0x0] =	vst.idx.add.f32.msk $0xffff, v23  }
0x8f: {  	v16 =	vmul.f32 v16, v30;
	[tilespmem:v26+s17+$0x0] =	vst.idx.add.f32.msk $0xffff, v21  }
0x90: {  	v15 =	vmul.f32 v15, v2;
	v19 =	vld.idx.msk [tilespmem:v28+s4+$0x0], $0xffff  }
0x91: {  	v17 =	vmul.f32 v17, v34;
	[tilespmem:v22+s17+$0x0] =	vst.idx.add.f32.msk $0xffff, v16  }
0x92: {  	[tilespmem:v46+s17+$0x0] =	vst.idx.add.f32.msk $0xffff, v15;
	v15 =	vmul.f32 v27, v1;
	v1 =	vmov v34  }
0x93: {  	[tilespmem:v20+s17+$0x0] =	vst.idx.add.f32.msk $0xffff, v17  }
0x94: {  	v16 =	vld.idx.msk [tilespmem:v11+s4+$0x0], $0xffff  }
0x95: {  	v12 =	vld.idx.msk [tilespmem:v12+s4+$0x0], $0xffff  }
0x96: {  	v11 =	vmul.f32 v19, v3;
	v17 =	vld.idx.msk [tilespmem:v24+s4+$0x0], $0xffff  }
0x97: {  	[tilespmem:v4+s17+$0x0] =	vst.idx.add.f32.msk $0xffff, v18;
	v4 =	vmov v45  }
.Ltmp2:
0x98: {  	[tilespmem:v43+s17+$0x0] =	vst.idx.add.f32.msk $0xffff, v11;
	(pc) =	sbr.rel @p0 .LBB2_3-.Ltmp2, $4  }
0x99: {  	v11 =	vld.idx.msk [tilespmem:v29+s4+$0x0], $0xffff  }
0x9a: {  	v16 =	vmul.f32 v16, v0;
	[tilespmem:v6+s17+$0x0] =	vst.idx.add.f32.msk $0xffff, v33;
	v6 =	vmov v47  }
0x9b: {  	v12 =	vmul.f32 v12, v2;
	[tilespmem:v7+s17+$0x0] =	vst.idx.add.f32.msk $0xffff, v15;
	v7 =	vmov v35  }
0x9c: {  	s19 =	sadd.s32 $0x50, s19;
	v15 =	vmul.f32 v17, v1;
	[tilespmem:v36+s17+$0x0] =	vst.idx.add.f32.msk $0xffff, v16  }
0x9d: {  	_ =	sdelay $0x3  }
0x9e: {  	[tilespmem:v13+s17+$0x0] =	vst.idx.add.f32.msk $0xffff, v12  }
0x9f: {  	v8 =	vld.idx.msk [tilespmem:v8+s4+$0x0], $0xffff  }
0xa0: {  	[tilespmem:v14+s17+$0x0] =	vst.idx.add.f32.msk $0xffff, v15  }
0xa1: {  	v9 =	vld.idx.msk [tilespmem:v9+s4+$0x0], $0xffff  }
0xa2: {  	v10 =	vld.idx.msk [tilespmem:v10+s4+$0x0], $0xffff;
	_ =	sdelay $0x1  }
0xa3: {  	p0 =	seq.s32 s31, $0x27;
	v3 =	vmul.f32 v11, v3  }
0xa4: {  	s0 =	smul.u32 @!p0 $0x1F40, s31;
	v0 =	vmul.f32 v8, v0  }
0xa5: {  	[tilespmem:v5+s17+$0x0] =	vst.idx.add.f32.msk $0xffff, v3;
	v2 =	vmul.f32 v9, v2  }
0xa6: {  	s0 =	sshrl.u32 @!p0 s0, $0x3;
	v1 =	vmul.f32 v10, v1;
	[tilespmem:v4+s17+$0x0] =	vst.idx.add.f32.msk $0xffff, v0  }
0xa7: {  	s0 =	sadd.s32 @!p0 $0x3E8, s0;
	[tilespmem:v6+s17+$0x0] =	vst.idx.add.f32.msk $0xffff, v2  }
0xa8: {  	s7 =	simm.s32 @!p0 $0x0;
	s8 =	simm.s32 @!p0 $0x13900;
	s1 =	sadd.s32 @!p0 s5, s0;
	[tilespmem:v7+s17+$0x0] =	vst.idx.add.f32.msk $0xffff, v1  }
0xa9: {  	[tilespmem:s8], [sflag:$0x1] =	stream.linear.gather @!p0 [hbm4b:s1+s7], $0xFA0, $0x38;
	[tilespmem:$0x19900] =	vst v63  }
0xaa: {  	s1 =	sadd.s32 @!p0 s6, s0;
	s8 =	simm.s32 @!p0 $0x15900  }
0xab: {  	[tilespmem:s8], [sflag:$0x1] =	stream.linear.gather @!p0 [hbm4b:s1+s7], $0xFA0, $0x38;
	[tilespmem:$0x19900] =	vst v63  }
0xac: {  	s0 =	sadd.s32 @!p0 s2, s0;
	s1 =	simm.s32 @!p0 $0x17900  }
0xad: {  	[tilespmem:s1], [sflag:$0x1] =	stream.linear.gather @!p0 [hbm4b:s0+s7], $0xFA0, $0x38;
	[tilespmem:$0x19900] =	vst v63  }
0xae: {  	_ =	swait.ge [sflag:s28], $0xFA0  }
0xaf: {  	[sflag:s28] =	ssyncset.done $0x0  }
0xb0: {  	[sflag:s28] =	ssyncadd.s32 $0xFFFFF060  }
0xb1: {  	_ =	swait.ge [sflag:s28], $0xFA0  }
0xb2: {  	[sflag:s28] =	ssyncset.done $0x0  }
0xb3: {  	[sflag:s28] =	ssyncadd.s32 $0xFFFFF060  }
0xb4: {  	_ =	swait.ge [sflag:s28], $0xFA0  }
0xb5: {  	[sflag:s28] =	ssyncset.done $0x0  }
0xb6: {  	s19 =	simm.s32 $0x14920;
	[sflag:s28] =	ssyncadd.s32 $0xFFFFF060  }
0xb7: {  	v4 =	vld [tilespmem:s19+$0x20]  }
0xb8: {  	v5 =	vld [tilespmem:s19+$0xFFFFFFF0]  }
0xb9: {  	v7 =	vld [tilespmem:s19+$0x0]  }
0xba: {  	v6 =	vld [tilespmem:s19+$0xFFFFFFE0]  }
0xbb: {  	s1 =	simm.s32 $0x16920;
	v8 =	vld [tilespmem:s19+$0x10]  }
0xbc: {  	s0 =	simm.s32 $0x18920;
	v9 =	vld [tilespmem:s1+$0x20]  }
0xbd: {  	v10 =	vld [tilespmem:s0+$0x20]  }
0xbe: {  	v3 =	vld [tilespmem:s0+$0xFFFFFFE0]  }
0xbf: {  	v0 =	vld.idx.msk [tilespmem:v4+s4+$0x0], $0xffff  }
0xc0: {  	v16 =	vld [tilespmem:s1+$0xFFFFFFE0]  }
0xc1: {  	v18 =	vld [tilespmem:s1+$0xFFFFFFF0]  }
0xc2: {  	v20 =	vld [tilespmem:s1+$0x0];
	v1 =	vadd.s32 $0x2710, v4  }
0xc3: {  	v21 =	vld [tilespmem:s1+$0x10]  }
0xc4: {  	v11 =	vld.idx.msk [tilespmem:v5+s4+$0x0], $0xffff;
	v2 =	vmul.f32 v0, v10  }
0xc5: {  	v13 =	vld.idx.msk [tilespmem:v6+s4+$0x0], $0xffff  }
0xc6: {  	[tilespmem:v9+s17+$0x0] =	vst.idx.add.f32.msk $0xffff, v2  }
0xc7: {  	v15 =	vld.idx.msk [tilespmem:v1+s4+$0x0], $0xffff  }
0xc8: {  	v0 =	vld [tilespmem:s0+$0xFFFFFFF0]  }
0xc9: {  	v17 =	vadd.s32 $0x2710, v9;
	v12 =	vld.idx.msk [tilespmem:v7+s4+$0x0], $0xffff  }
0xca: {  	v14 =	vld.idx.msk [tilespmem:v8+s4+$0x0], $0xffff;
	v13 =	vmul.f32 v13, v3  }
0xcb: {  	v19 =	vadd.s32 $0x4E20, v4;
	v2 =	vld [tilespmem:s0+$0x0]  }
0xcc: {  	v22 =	vadd.s32 $0x2710, v6;
	[tilespmem:v16+s17+$0x0] =	vst.idx.add.f32.msk $0xffff, v13;
	v15 =	vmul.f32 v15, v10  }
0xcd: {  	v1 =	vld [tilespmem:s0+$0x10];
	v11 =	vmul.f32 v11, v0  }
0xce: {  	[tilespmem:v17+s17+$0x0] =	vst.idx.add.f32.msk $0xffff, v15;
	v15 =	vadd.s32 $0x2710, v5  }
0xcf: {  	[tilespmem:v18+s17+$0x0] =	vst.idx.add.f32.msk $0xffff, v11  }
0xd0: {  	v12 =	vmul.f32 v12, v2;
	v11 =	vadd.s32 $0x2710, v8;
	v17 =	vld.idx.msk [tilespmem:v19+s4+$0x0], $0xffff  }
0xd1: {  	v13 =	vadd.s32 $0x2710, v7;
	v58 =	vld.idx.msk [tilespmem:v22+s4+$0x0], $0xffff  }
0xd2: {  	[tilespmem:v20+s17+$0x0] =	vst.idx.add.f32.msk $0xffff, v12;
	v12 =	vmul.f32 v14, v1;
	v14 =	vadd.s32 $0x4E20, v9  }
0xd3: {  	v4 =	vadd.s32 $0x7530, v4;
	v15 =	vld.idx.msk [tilespmem:v15+s4+$0x0], $0xffff  }
0xd4: {  	v59 =	vadd.s32 $0x2710, v16;
	[tilespmem:v21+s17+$0x0] =	vst.idx.add.f32.msk $0xffff, v12  }
0xd5: {  	v12 =	vadd.s32 $0x2710, v18;
	v11 =	vld.idx.msk [tilespmem:v11+s4+$0x0], $0xffff;
	v17 =	vmul.f32 v17, v10  }
0xd6: {  	v23 =	vadd.s32 $0x4E20, v6;
	v13 =	vld.idx.msk [tilespmem:v13+s4+$0x0], $0xffff  }
0xd7: {  	[tilespmem:v14+s17+$0x0] =	vst.idx.add.f32.msk $0xffff, v17;
	v14 =	vmul.f32 v58, v3;
	v17 =	vadd.s32 $0x2710, v21  }
0xd8: {  	v24 =	vadd.s32 $0x2710, v20;
	v4 =	vld.idx.msk [tilespmem:v4+s4+$0x0], $0xffff;
	v15 =	vmul.f32 v15, v0  }
0xd9: {  	v60 =	vadd.s32 $0x4E20, v5;
	[tilespmem:v59+s17+$0x0] =	vst.idx.add.f32.msk $0xffff, v14  }
0xda: {  	v11 =	vmul.f32 v11, v1;
	v14 =	vadd.s32 $0x4E20, v7;
	[tilespmem:v12+s17+$0x0] =	vst.idx.add.f32.msk $0xffff, v15  }
0xdb: {  	v12 =	vmul.f32 v13, v2;
	v13 =	vadd.s32 $0x4E20, v8;
	v15 =	vld.idx.msk [tilespmem:v23+s4+$0x0], $0xffff  }
0xdc: {  	[tilespmem:v17+s17+$0x0] =	vst.idx.add.f32.msk $0xffff, v11  }
0xdd: {  	v11 =	vadd.s32 $0x4E20, v16;
	[tilespmem:v24+s17+$0x0] =	vst.idx.add.f32.msk $0xffff, v12  }
0xde: {  	v17 =	vadd.s32 $0x7530, v6;
	v12 =	vld.idx.msk [tilespmem:v60+s4+$0x0], $0xffff  }
0xdf: {  	v9 =	vadd.s32 $0x7530, v9;
	v61 =	vld.idx.msk [tilespmem:v14+s4+$0x0], $0xffff  }
0xe0: {  	v62 =	vadd.s32 $0x4E20, v18;
	v4 =	vmul.f32 v4, v10;
	v63 =	vld.idx.msk [tilespmem:v13+s4+$0x0], $0xffff;
	v10 =	vmul.f32 v15, v3;
	_ =	sdelay $0x1  }
0xe1: {  	v7 =	vadd.s32 $0x7530, v7;
	v8 =	vadd.s32 $0x7530, v8;
	v6 =	vadd.s32 $0x7530, v5;
	[tilespmem:v11+s17+$0x0] =	vst.idx.add.f32.msk $0xffff, v10  }
0xe2: {  	v5 =	vadd.s32 $0x7530, v16;
	v14 =	vadd.s32 $0x4E20, v21;
	v15 =	vmul.f32 v12, v0;
	v11 =	vld.idx.msk [tilespmem:v17+s4+$0x0], $0xffff  }
0xe3: {  	[tilespmem:v9+s17+$0x0] =	vst.idx.add.f32.msk $0xffff, v4;
	v4 =	vadd.s32 $0x7530, v18;
	v9 =	vadd.s32 $0x7530, v20;
	v13 =	vadd.s32 $0x4E20, v20  }
0xe4: {  	s18 =	simm.s32 $0x0;
	s19 =	simm.s32 $0x14970;
	v10 =	vadd.s32 $0x7530, v21;
	v12 =	vmul.f32 v61, v2;
	[tilespmem:v62+s17+$0x0] =	vst.idx.add.f32.msk $0xffff, v15;
	v15 =	vmul.f32 v63, v1  }
.LBB2_5:
0xe5: {  	v16 =	vld [tilespmem:s19+$0x20];
	s18 =	sadd.s32 $0x5, s18  }
0xe6: {  	v17 =	vld [tilespmem:s19+$0xFFFFFFF0];
	p1 =	slt.u32 s18, $0xF5  }
0xe7: {  	v19 =	vmul.f32 v11, v3;
	v18 =	vld [tilespmem:s19+$0x0]  }
0xe8: {  	v3 =	vld [tilespmem:s19+$0x10]  }
0xe9: {  	v20 =	vld [tilespmem:s19+$0xFFFFFFE0]  }
0xea: {  	[tilespmem:v13+s17+$0x0] =	vst.idx.add.f32.msk $0xffff, v12  }
0xeb: {  	s1 =	sadd.s32 $0x50, s1;
	v21 =	vadd.s32 $0x2710, v17;
	v11 =	vadd.s32 $0x4E20, v17;
	v13 =	vadd.s32 $0x7530, v17;
	[tilespmem:v14+s17+$0x0] =	vst.idx.add.f32.msk $0xffff, v15  }
0xec: {  	v15 =	vadd.s32 $0x2710, v18;
	v12 =	vadd.s32 $0x4E20, v18;
	v14 =	vadd.s32 $0x7530, v18;
	v22 =	vld [tilespmem:s1+$0x20]  }
0xed: {  	s0 =	sadd.s32 $0x50, s0;
	v23 =	vadd.s32 $0x2710, v3;
	v24 =	vadd.s32 $0x4E20, v3;
	v25 =	vadd.s32 $0x7530, v3;
	v26 =	vld.idx.msk [tilespmem:v16+s4+$0x0], $0xffff  }
0xee: {  	v27 =	vadd.s32 $0x2710, v20;
	v28 =	vadd.s32 $0x4E20, v20;
	v29 =	vadd.s32 $0x7530, v20;
	v30 =	vld [tilespmem:s0+$0x20]  }
0xef: {  	v17 =	vld.idx.msk [tilespmem:v17+s4+$0x0], $0xffff  }
0xf0: {  	v18 =	vld.idx.msk [tilespmem:v18+s4+$0x0], $0xffff  }
0xf1: {  	v31 =	vadd.s32 $0x2710, v16;
	v20 =	vld.idx.msk [tilespmem:v20+s4+$0x0], $0xffff  }
0xf2: {  	v32 =	vld.idx.msk [tilespmem:v3+s4+$0x0], $0xffff  }
0xf3: {  	v3 =	vld [tilespmem:s0+$0xFFFFFFE0];
	v26 =	vmul.f32 v26, v30  }
0xf4: {  	v33 =	vld [tilespmem:s0+$0xFFFFFFF0]  }
0xf5: {  	[tilespmem:v22+s17+$0x0] =	vst.idx.add.f32.msk $0xffff, v26  }
0xf6: {  	v26 =	vld.idx.msk [tilespmem:v31+s4+$0x0], $0xffff  }
0xf7: {  	v31 =	vld [tilespmem:s0+$0x0]  }
0xf8: {  	v20 =	vmul.f32 v20, v3;
	v34 =	vld [tilespmem:s0+$0x10]  }
0xf9: {  	v36 =	vadd.s32 $0x2710, v22;
	v35 =	vld [tilespmem:s1+$0xFFFFFFE0];
	v17 =	vmul.f32 v17, v33  }
0xfa: {  	v38 =	vadd.s32 $0x4E20, v16;
	v37 =	vld [tilespmem:s1+$0xFFFFFFF0]  }
0xfb: {  	v39 =	vld [tilespmem:s1+$0x0]  }
0xfc: {  	v26 =	vmul.f32 v26, v30;
	v18 =	vmul.f32 v18, v31;
	v40 =	vld [tilespmem:s1+$0x10]  }
0xfd: {  	v32 =	vmul.f32 v32, v34;
	v41 =	vld.idx.msk [tilespmem:v6+s4+$0x0], $0xffff;
	v6 =	vmov v13  }
0xfe: {  	v42 =	vadd.s32 $0x2710, v35;
	v43 =	vadd.s32 $0x4E20, v35;
	v44 =	vadd.s32 $0x7530, v35;
	[tilespmem:v36+s17+$0x0] =	vst.idx.add.f32.msk $0xffff, v26  }
0xff: {  	v26 =	vadd.s32 $0x2710, v37;
	v36 =	vadd.s32 $0x4E20, v37;
	v45 =	vadd.s32 $0x7530, v37;
	v38 =	vld.idx.msk [tilespmem:v38+s4+$0x0], $0xffff  }
0x100: {  	v46 =	vadd.s32 $0x2710, v39;
	v13 =	vadd.s32 $0x4E20, v39;
	v47 =	vadd.s32 $0x7530, v39;
	v48 =	vld.idx.msk [tilespmem:v7+s4+$0x0], $0xffff;
	v7 =	vmovc v14  }
0x101: {  	[tilespmem:v35+s17+$0x0] =	vst.idx.add.f32.msk $0xffff, v20;
	v20 =	vadd.s32 $0x2710, v40;
	v14 =	vadd.s32 $0x4E20, v40;
	v35 =	vadd.s32 $0x7530, v40  }
0x102: {  	[tilespmem:v37+s17+$0x0] =	vst.idx.add.f32.msk $0xffff, v17;
	v17 =	vadd.s32 $0x4E20, v22  }
0x103: {  	v16 =	vadd.s32 $0x7530, v16;
	[tilespmem:v39+s17+$0x0] =	vst.idx.add.f32.msk $0xffff, v18;
	v18 =	vmul.f32 v41, v0;
	v0 =	vmov v33  }
0x104: {  	[tilespmem:v40+s17+$0x0] =	vst.idx.add.f32.msk $0xffff, v32  }
0x105: {  	v32 =	vmul.f32 v38, v30;
	v27 =	vld.idx.msk [tilespmem:v27+s4+$0x0], $0xffff  }
0x106: {  	v33 =	vmul.f32 v48, v2;
	v2 =	vmov v31;
	v21 =	vld.idx.msk [tilespmem:v21+s4+$0x0], $0xffff  }
0x107: {  	[tilespmem:v17+s17+$0x0] =	vst.idx.add.f32.msk $0xffff, v32  }
0x108: {  	v16 =	vld.idx.msk [tilespmem:v16+s4+$0x0], $0xffff  }
0x109: {  	v15 =	vld.idx.msk [tilespmem:v15+s4+$0x0], $0xffff  }
0x10a: {  	v17 =	vld.idx.msk [tilespmem:v23+s4+$0x0], $0xffff  }
0x10b: {  	v22 =	vadd.s32 $0x7530, v22;
	v23 =	vmul.f32 v27, v3;
	v27 =	vld.idx.msk [tilespmem:v8+s4+$0x0], $0xffff;
	v8 =	vmov v25  }
0x10c: {  	v21 =	vmul.f32 v21, v0;
	[tilespmem:v5+s17+$0x0] =	vst.idx.add.f32.msk $0xffff, v19;
	v5 =	vmov v44  }
0x10d: {  	[tilespmem:v42+s17+$0x0] =	vst.idx.add.f32.msk $0xffff, v23  }
0x10e: {  	v16 =	vmul.f32 v16, v30;
	[tilespmem:v26+s17+$0x0] =	vst.idx.add.f32.msk $0xffff, v21  }
0x10f: {  	v15 =	vmul.f32 v15, v2;
	v19 =	vld.idx.msk [tilespmem:v28+s4+$0x0], $0xffff  }
0x110: {  	v17 =	vmul.f32 v17, v34;
	[tilespmem:v22+s17+$0x0] =	vst.idx.add.f32.msk $0xffff, v16  }
0x111: {  	[tilespmem:v46+s17+$0x0] =	vst.idx.add.f32.msk $0xffff, v15;
	v15 =	vmul.f32 v27, v1;
	v1 =	vmov v34  }
0x112: {  	[tilespmem:v20+s17+$0x0] =	vst.idx.add.f32.msk $0xffff, v17  }
0x113: {  	v16 =	vld.idx.msk [tilespmem:v11+s4+$0x0], $0xffff  }
0x114: {  	v12 =	vld.idx.msk [tilespmem:v12+s4+$0x0], $0xffff  }
0x115: {  	v11 =	vmul.f32 v19, v3;
	v17 =	vld.idx.msk [tilespmem:v24+s4+$0x0], $0xffff  }
0x116: {  	[tilespmem:v4+s17+$0x0] =	vst.idx.add.f32.msk $0xffff, v18;
	v4 =	vmov v45  }
.Ltmp3:
0x117: {  	[tilespmem:v43+s17+$0x0] =	vst.idx.add.f32.msk $0xffff, v11;
	(pc) =	sbr.rel @p1 .LBB2_5-.Ltmp3, $4  }
0x118: {  	v11 =	vld.idx.msk [tilespmem:v29+s4+$0x0], $0xffff  }
0x119: {  	v16 =	vmul.f32 v16, v0;
	[tilespmem:v9+s17+$0x0] =	vst.idx.add.f32.msk $0xffff, v33;
	v9 =	vmov v47  }
0x11a: {  	v12 =	vmul.f32 v12, v2;
	[tilespmem:v10+s17+$0x0] =	vst.idx.add.f32.msk $0xffff, v15;
	v10 =	vmov v35  }
0x11b: {  	s19 =	sadd.s32 $0x50, s19;
	v15 =	vmul.f32 v17, v1;
	[tilespmem:v36+s17+$0x0] =	vst.idx.add.f32.msk $0xffff, v16  }
0x11c: {  	_ =	sdelay $0x3  }
0x11d: {  	[tilespmem:v13+s17+$0x0] =	vst.idx.add.f32.msk $0xffff, v12  }
0x11e: {  	v6 =	vld.idx.msk [tilespmem:v6+s4+$0x0], $0xffff  }
0x11f: {  	[tilespmem:v14+s17+$0x0] =	vst.idx.add.f32.msk $0xffff, v15  }
0x120: {  	v7 =	vld.idx.msk [tilespmem:v7+s4+$0x0], $0xffff  }
0x121: {  	v8 =	vld.idx.msk [tilespmem:v8+s4+$0x0], $0xffff;
	_ =	sdelay $0x1  }
0x122: {  	v3 =	vmul.f32 v11, v3  }
.Ltmp4:
0x123: {  	v0 =	vmul.f32 v6, v0;
	(pc) =	sbr.rel @p0 .LBB2_8-.Ltmp4, $4  }
0x124: {  	[tilespmem:v5+s17+$0x0] =	vst.idx.add.f32.msk $0xffff, v3;
	v2 =	vmul.f32 v7, v2  }
0x125: {  	v1 =	vmul.f32 v8, v1;
	[tilespmem:v4+s17+$0x0] =	vst.idx.add.f32.msk $0xffff, v0  }
0x126: {  	[tilespmem:v9+s17+$0x0] =	vst.idx.add.f32.msk $0xffff, v2  }
0x127: {  	[tilespmem:v10+s17+$0x0] =	vst.idx.add.f32.msk $0xffff, v1  }
0x128: {  	s0 =	smul.u32 $0x1F40, s31;
	_ =	sdelay $0x1  }
0x129: {  	s0 =	sshrl.u32 s0, $0x3  }
0x12a: {  	s0 =	sadd.s32 $0x5DC, s0  }
0x12b: {  	s1 =	sadd.s32 s5, s0  }
0x12c: {  	[tilespmem:s21], [sflag:$0x2] =	stream.linear.gather [hbm4b:s1+s4], $0xFA0, $0x38;
	[tilespmem:$0x19900] =	vst v63  }
.Ltmp5:
0x12d: {  	_ = 	snop;
	(pc) =	sbr.rel .LBB2_2-.Ltmp5, $4  }
0x12e: {  	s19 =	sadd.s32 s6, s0  }
0x12f: {  	[tilespmem:s22], [sflag:$0x2] =	stream.linear.gather [hbm4b:s19+s4], $0xFA0, $0x38;
	[tilespmem:$0x19900] =	vst v63  }
0x130: {  	s31 =	sadd.s32 $0x1, s31;
	s0 =	sadd.s32 s2, s0  }
0x131: {  	[tilespmem:s23], [sflag:$0x2] =	stream.linear.gather [hbm4b:s0+s4], $0xFA0, $0x38;
	[tilespmem:$0x19900] =	vst v63  }
.LBB2_8:
0x132: {  	s0 =	simm.s32 $0x0  }
0x133: {  	[tilespmem:s20], [sflag:$0x1] =	stream.linear.gather [hbm4b:s11+s0], $0xFA0, $0x38;
	[tilespmem:$0x19900] =	vst v63  }
0x134: {  	s1 =	simm.s32 $0x9CA0;
	s18 =	simm.s32 $0xAC50  }
0x135: {  	v0 =	vimm.f32 $0.0e+00;
	[tilespmem:s23], [sflag:$0x2] =	stream.linear.gather [hbm4b:s13+s0], $0xFA0, $0x38;
	[tilespmem:$0x19900] =	vst v63  }
.LBB2_9:
0x136: {  	_ =	swait.ge [sflag:s26], $0xFA0  }
0x137: {  	[sflag:s26] =	ssyncset.done $0x0  }
0x138: {  	[sflag:s26] =	ssyncadd.s32 $0xFFFFF060  }
0x139: {  	s20 =	simm.s32 $0x17920;
	v2 =	vld [tilespmem:s1+$0xFFFFFFE0]  }
0x13a: {  	v4 =	vld [tilespmem:s20+$0xFFFFFFE0]  }
0x13b: {  	v7 =	vld [tilespmem:s1+$0xFFFFFFF0]  }
0x13c: {  	v5 =	vld [tilespmem:s20+$0xFFFFFFF0]  }
0x13d: {  	v3 =	vld [tilespmem:s1+$0x0]  }
0x13e: {  	v1 =	vld [tilespmem:s20+$0x0];
	v6 =	vmax.f32 v2, $0.0e+00  }
0x13f: {  	v2 =	vld [tilespmem:s1+$0x10];
	v6 =	vmul.f32 v4, v6  }
0x140: {  	s19 =	smul.u32 $0x1F40, s0;
	s31 =	simm.s32 $0x0;
	s7 =	sadd.s32 $0x40, s1;
	v7 =	vmax.f32 v7, $0.0e+00;
	v4 =	vld [tilespmem:s20+$0x10]  }
.LBB2_10:
0x141: {  	v8 =	vld [tilespmem:s7+$0xFFFFFFE0];
	s31 =	sadd.s32 $0x4, s31;
	v0 =	vadd.f32 v6, v0;
	v5 =	vmul.f32 v5, v7;
	s20 =	sadd.s32 $0x40, s20  }
0x142: {  	v6 =	vld [tilespmem:s20+$0xFFFFFFE0];
	p0 =	slt.u32 s31, $0xF4;
	v3 =	vmax.f32 v3, $0.0e+00  }
0x143: {  	v7 =	vld [tilespmem:s7+$0xFFFFFFF0];
	v0 =	vadd.f32 v5, v0;
	v1 =	vmul.f32 v1, v3  }
.Ltmp6:
0x144: {  	v5 =	vld [tilespmem:s20+$0xFFFFFFF0];
	v2 =	vmax.f32 v2, $0.0e+00;
	(pc) =	sbr.rel @p0 .LBB2_10-.Ltmp6, $4  }
0x145: {  	v3 =	vld [tilespmem:s7+$0x0];
	v0 =	vadd.f32 v1, v0;
	v4 =	vmul.f32 v4, v2  }
0x146: {  	v2 =	vmax.f32 v8, $0.0e+00;
	v1 =	vld [tilespmem:s20+$0x0]  }
0x147: {  	v6 =	vmul.f32 v6, v2;
	v2 =	vld [tilespmem:s7+$0x10];
	v0 =	vadd.f32 v4, v0  }
0x148: {  	s7 =	sadd.s32 $0x40, s7;
	v7 =	vmax.f32 v7, $0.0e+00;
	v4 =	vld [tilespmem:s20+$0x10]  }
0x149: {  	s7 =	sand.u32 $0xFFC0, s19;
	p0 =	seq.s32 s0, $0x4  }
0x14a: {  	v8 =	vld [tilespmem:s7+$0xAC00];
	s7 =	sadd.s32 @!p0 s19, s14  }
0x14b: {  	v9 =	vld [tilespmem:$0x18880];
	s7 =	sshrl.u32 @!p0 s7, $0x3  }
0x14c: {  	v10 =	vld [tilespmem:s19+$0xAC10];
	s8 =	simm.s32 @!p0 $0x0;
	s20 =	simm.s32 @!p0 $0x17900;
	s7 =	sadd.s32 @!p0 s3, s7  }
0x14d: {  	v11 =	vld [tilespmem:$0x18890];
	v0 =	vadd.f32 v6, v0;
	v5 =	vmul.f32 v5, v7;
	[tilespmem:s20], [sflag:$0x1] =	stream.linear.gather @!p0 [hbm4b:s7+s8], $0xFA0, $0x38  }
0x14e: {  	v3 =	vmax.f32 v3, $0.0e+00;
	_ =	swait.ge [sflag:s28], $0xFA0  }
0x14f: {  	v0 =	vadd.f32 v5, v0;
	v1 =	vmul.f32 v1, v3;
	[sflag:s28] =	ssyncset.done $0x0  }
0x150: {  	v2 =	vmax.f32 v2, $0.0e+00;
	[sflag:s28] =	ssyncadd.s32 $0xFFFFF060  }
0x151: {  	s20 =	simm.s32 $0x18920;
	v0 =	vadd.f32 v1, v0;
	v1 =	vmul.f32 v4, v2;
	v5 =	vld [tilespmem:s18+$0xFFFFFFD0]  }
0x152: {  	v2 =	vmax.f32 v8, $0.0e+00;
	v4 =	vld [tilespmem:s20+$0xFFFFFFE0]  }
0x153: {  	v1 =	vadd.f32 v1, v0;
	v2 =	vmul.f32 v9, v2;
	v7 =	vld [tilespmem:s18+$0xFFFFFFE0]  }
0x154: {  	v6 =	vmax.f32 v10, $0.0e+00;
	v3 =	vld [tilespmem:s20+$0xFFFFFFF0]  }
0x155: {  	v6 =	vmul.f32 v11, v6;
	v0 =	vld [tilespmem:s18+$0xFFFFFFF0];
	v8 =	vadd.f32 v2, v1  }
0x156: {  	v1 =	vld [tilespmem:s20+$0x0];
	v63 =	vmax.f32 v5, $0.0e+00  }
0x157: {  	v2 =	vld [tilespmem:s18+$0x0];
	v5 =	vadd.f32 v6, v8;
	v6 =	vmul.f32 v4, v63  }
0x158: {  	s31 =	sadd.s32 $0xFA0, s19;
	s7 =	simm.s32 $0x0;
	s8 =	sadd.s32 $0x40, s18;
	v7 =	vmax.f32 v7, $0.0e+00;
	v4 =	vld [tilespmem:s20+$0x10]  }
.LBB2_12:
0x159: {  	v8 =	vld [tilespmem:s8+$0xFFFFFFD0];
	s7 =	sadd.s32 $0x4, s7;
	v5 =	vadd.f32 v6, v5;
	v3 =	vmul.f32 v3, v7;
	s20 =	sadd.s32 $0x40, s20  }
0x15a: {  	v6 =	vld [tilespmem:s20+$0xFFFFFFE0];
	p1 =	slt.u32 s7, $0xF4;
	v0 =	vmax.f32 v0, $0.0e+00  }
0x15b: {  	v7 =	vld [tilespmem:s8+$0xFFFFFFE0];
	v5 =	vadd.f32 v3, v5;
	v1 =	vmul.f32 v1, v0  }
.Ltmp7:
0x15c: {  	v3 =	vld [tilespmem:s20+$0xFFFFFFF0];
	v2 =	vmax.f32 v2, $0.0e+00;
	(pc) =	sbr.rel @p1 .LBB2_12-.Ltmp7, $4  }
0x15d: {  	v0 =	vld [tilespmem:s8+$0xFFFFFFF0];
	v5 =	vadd.f32 v1, v5;
	v4 =	vmul.f32 v4, v2  }
0x15e: {  	v2 =	vmax.f32 v8, $0.0e+00;
	v1 =	vld [tilespmem:s20+$0x0]  }
0x15f: {  	v6 =	vmul.f32 v6, v2;
	v2 =	vld [tilespmem:s8+$0x0];
	v5 =	vadd.f32 v4, v5  }
0x160: {  	s8 =	sadd.s32 $0x40, s8;
	v7 =	vmax.f32 v7, $0.0e+00;
	v4 =	vld [tilespmem:s20+$0x10]  }
0x161: {  	v5 =	vadd.f32 v6, v5;
	v3 =	vmul.f32 v3, v7;
	v61 =	vld [tilespmem:s19+$0xBBA0]  }
0x162: {  	v62 =	vld [tilespmem:$0x19880];
	v0 =	vmax.f32 v0, $0.0e+00  }
0x163: {  	v3 =	vadd.f32 v3, v5;
	v0 =	vmul.f32 v1, v0;
	v1 =	vld [tilespmem:s19+$0xBBB0]  }
0x164: {  	v63 =	vld [tilespmem:$0x19890];
	v2 =	vmax.f32 v2, $0.0e+00  }
0x165: {  	v0 =	vadd.f32 v0, v3;
	v2 =	vmul.f32 v4, v2  }
0x166: {  	v3 =	vmax.f32 v61, $0.0e+00  }
0x167: {  	v0 =	vadd.f32 v2, v0;
	v2 =	vmul.f32 v62, v3  }
.Ltmp8:
0x168: {  	v1 =	vmax.f32 v1, $0.0e+00;
	(pc) =	sbr.rel @p0 .LBB2_15-.Ltmp8, $2  }
0x169: {  	v0 =	vadd.f32 v2, v0;
	v1 =	vmul.f32 v63, v1;
	_ =	sdelay $0x1  }
0x16a: {  	v0 =	vadd.f32 v1, v0;
	_ =	sdelay $0x1  }
.Ltmp9:
0x16b: {  	(pc) =	sbr.rel .LBB2_9-.Ltmp9, $4  }
0x16c: {  	s7 =	sadd.s32 s31, s14  }
0x16d: {  	s0 =	sadd.s32 $0x1, s0;
	s7 =	sshrl.u32 s7, $0x3  }
0x16e: {  	s1 =	sadd.s32 $0x1F40, s1;
	s18 =	sadd.s32 $0x1F40, s18;
	s7 =	sadd.s32 s3, s7  }
0x16f: {  	[tilespmem:s23], [sflag:$0x2] =	stream.linear.gather [hbm4b:s7+s4], $0xFA0, $0x38;
	[tilespmem:$0x19900] =	vst v63  }
.LBB2_16:
0x170: {  	_ =	sfence.sel $0x180000  }
0x171: {  	[bflag:$0x0] =	sbarrier.arrive $0xFFFF  }
0x172: {  	_ =	strace $0x9000004A  }
0x173: {  	s0 =	stileid.u32;
	[bflag:$0x2] =	sbarrier.arrive $0xFFFF  }
0x174: {  	p0 =	sne.s32 s0, $0x0;
	s0 =	rddreg [dreg:$0x3]  }
0x175: {  	s0 =	sadd.s32 @!p0 $0x100000, s0  }
0x176: {  	[sflag:s0] =	ssyncadd.tile.s32 @!p0 $0x1;
	_ =	shalt  }
.Lfunc_end2:
_tile_overlayer_lowered:
.L_overlay_start_2:
0x177: {  	(tag) =	ssettag $0x2  }
0x178: {  	s0 =	rddreg [dreg:$0x0];
	s2 =	stileid.u32  }
0x179: {  	s1 =	rddreg [dreg:$0x1];
	p0 =	sne.s32 s2, $0x0  }
0x17a: {  	s3 =	rddreg [dreg:$0x2];
	[bflag:$0x3] =	sbarrier.arrive $0xFFFF;
	s2 =	simm.s32 @!p0 $0x1C05  }
0x17b: {  	[timem:s3], [sflag:s2] =	dma.local @!p0 [hbm:s0], s1  }
0x17c: {  	s0 =	simm.s32 @!p0 $0x5  }
0x17d: {  	_ =	swait.ge @!p0 [sflag:s0], s1  }
0x17e: {  	s1 =	ssub.s32 @!p0 $0x0, s1;
	[sflag:s0] =	ssyncset.done @!p0 $0x0  }
0x17f: {  	[sflag:s0] =	ssyncadd.s32 @!p0 s1  }
0x180: {  	[bflag:$0x3] =	sbarrier.arrive $0xFFFF  }
0x181: {  	_ =	shalt  }

</sc_bundles>
